<compile_context>
chip_gen: v7x
topology: tpu7x:2x2x1
jax: 0.10.2.dev20260603
libtpu: 0.0.44.dev20260713+nightly
codegen_flags: <defaults>
</compile_context>

<pallas_src>
import functools

import jax
import jax.numpy as jnp
from jax import lax
from jax.experimental import pallas as pl
from jax.experimental.pallas import tpu as pltpu
from jax.experimental.pallas import tpu_sc as plsc

VOCAB = 1000000
DIM = 64
R = 16
B = 16384
L = 20
N = B * L

_info = plsc.get_sparse_core_info()
NC = _info.num_cores
NS = _info.num_subcores
NW = NC * NS
PW = N // NW
CK = 1024
NCH = PW // CK
SG = 128
NSG = CK // SG

_mesh = plsc.VectorSubcoreMesh(core_axis_name="c", subcore_axis_name="s")

_VP = 1000064
_DCH = 1664
_NDCH = _VP // _DCH
_KMAX = -(-_NDCH // NW)


@functools.partial(
    pl.kernel,
    mesh=_mesh,
    out_type=jax.ShapeDtypeStruct((_VP // 8, 128), jnp.float32),
    scratch_types=[
        pltpu.VMEM((R, _DCH + 8), jnp.float32),
        pltpu.VMEM((_DCH // 8, 128), jnp.float32),
    ],
    compiler_params=pltpu.CompilerParams(
        needs_layout_passes=False, disable_bounds_checks=True
    ),
)
def _u_relayout(ut_hbm, out_hbm, in_v, out_v):
    wid = lax.axis_index("s") * NC + lax.axis_index("c")
    lanes = lax.iota(jnp.int32, 16)

    def chunk_body(k, carry):
        cid = wid + k * NW

        @pl.when(cid < _NDCH)
        def _():
            c0 = pl.multiple_of(cid * _DCH, _DCH)
            o0 = pl.multiple_of(cid * (_DCH // 8), _DCH // 8)
            pltpu.sync_copy(ut_hbm.at[:, pl.ds(c0, _DCH)], in_v.at[:, pl.ds(0, _DCH)])

            def g_body(g, carry2):
                for s in range(8):
                    vals = plsc.load_gather(
                        in_v, [lanes, jnp.full((16,), g * 8 + s, jnp.int32)]
                    )
                    out_v[g, pl.ds(s * R, R)] = vals
                return carry2

            lax.fori_loop(0, _DCH // 8, g_body, 0)
            pltpu.sync_copy(out_v, out_hbm.at[pl.ds(o0, _DCH // 8)])

        return carry

    lax.fori_loop(0, _KMAX, chunk_body, 0)




def _make_gather(width):
    @functools.partial(
        pl.kernel,
        mesh=_mesh,
        out_type=jax.ShapeDtypeStruct((N, 128), jnp.float32),
        scratch_types=[
            pltpu.VMEM((PW,), jnp.int32),
            pltpu.VMEM((CK, width), jnp.float32),
            pltpu.SemaphoreType.DMA,
        ],
        compiler_params=pltpu.CompilerParams(
            use_tc_tiling_on_sc=False, disable_bounds_checks=True
        ),
    )
    def _gather(table_hbm, idx_hbm, out_hbm, idx_v, rows_v, sem):
        wid = lax.axis_index("s") * NC + lax.axis_index("c")
        base = wid * PW
        pltpu.sync_copy(idx_hbm.at[pl.ds(base, PW)], idx_v)

        def chunk_body(c, carry):
            off = c * CK
            copies = []
            for j in range(NSG):
                isl = idx_v.at[pl.ds(off + j * SG, SG)]
                dsl = pl.ds(j * SG, SG)
                copies.append(pltpu.async_copy(table_hbm.at[isl], rows_v.at[dsl], sem))
            for cp in copies:
                cp.wait()
            pltpu.sync_copy(
                rows_v, out_hbm.at[pl.ds(base + off, CK), pl.ds(0, width)]
            )
            return carry

        lax.fori_loop(0, NCH, chunk_body, 0)

    return _gather


_gather_base = _make_gather(DIM)
_gather_u = _make_gather(R)

_BLK = 2048
_NBB = B // _BLK


def _combine_body(u_ref, b_ref, w_ref, o_ref):
    rows = b_ref[:, :DIM] + jnp.dot(
        u_ref[:, :R], w_ref[...], preferred_element_type=jnp.float32
    )
    o_ref[...] = rows.T[None]


def kernel(x, base_table, pissa_U, pissa_S, pissa_V):
    idx = x.T.reshape(N)
    ut = jnp.pad(pissa_U.T, ((0, 0), (0, _VP - VOCAB)))
    u_dense = _u_relayout(ut).reshape(_VP, R)
    rows_b = _gather_base(base_table, idx)
    rows_u = _gather_u(u_dense, idx)
    w = pissa_S[:, None] * pissa_V
    out_t = pl.pallas_call(
        _combine_body,
        grid=(L, _NBB),
        in_specs=[
            pl.BlockSpec((_BLK, 128), lambda i, j: (i * _NBB + j, 0)),
            pl.BlockSpec((_BLK, 128), lambda i, j: (i * _NBB + j, 0)),
            pl.BlockSpec((R, DIM), lambda i, j: (0, 0)),
        ],
        out_specs=pl.BlockSpec((1, DIM, _BLK), lambda i, j: (i, 0, j)),
        out_shape=jax.ShapeDtypeStruct((L, DIM, B), jnp.float32),
    )(rows_u, rows_b, w)
    return out_t.transpose(2, 0, 1)

# --- scband reference (transcript-rebuilt; emitter-appended) ---
"""Pipeline reference for scband-embedding-77601469104296 (READ-ONLY COPY).

The authoritative reference and input builder live on the scoring server;
editing this copy changes nothing except your own understanding.
"""

import jax, jax.numpy as jnp
import numpy as np

VOCAB = 1000000
DIM = 64
R = 16
B = 16384
L = 20


def setup_inputs(seed: int = 0) -> dict:
    key = jax.random.key(seed)
    k1, k2, k3, k4, k5 = jax.random.split(key, 5)
    # index tensor (forward arg)
    x = jax.random.randint(k1, (B, L), 0, VOCAB, dtype=jnp.int32)
    # base embedding table (frozen base layer weight)
    base_table = jax.random.normal(k2, (VOCAB, DIM), dtype=jnp.float32) * 0.02
    # PiSSA adapter params: U [vocab, r], S [r], V [r, dim]
    pissa_U = jax.random.normal(k3, (VOCAB, R), dtype=jnp.float32) * 0.02
    pissa_S = jax.random.normal(k4, (R,), dtype=jnp.float32) * 0.01
    pissa_V = jax.random.normal(k5, (R, DIM), dtype=jnp.float32) * 0.02
    return {"x": x, "base_table": base_table, "pissa_U": pissa_U, "pissa_S": pissa_S, "pissa_V": pissa_V}


def reference(x, base_table, pissa_U, pissa_S, pissa_V):
    # base embedding lookup
    base_out = jnp.take(base_table, x, axis=0)  # [B, L, DIM]
    # adapter path: embedding lookup into U, scale by singular values S, project with V
    after_U = jnp.take(pissa_U, x, axis=0)  # [B, L, R]
    delta = (after_U * pissa_S) @ pissa_V  # [B, L, DIM]
    return base_out + delta

if __name__ == "__main__":
    import jax
    _d = setup_inputs()
    print(jax.jit(kernel)(*tuple(_d.values())))

</pallas_src>

<mosaic_0001>
#map = affine_map<(d0, d1) -> (0, 0)>
#map1 = affine_map<(d0, d1) -> (0)>
module attributes {stable_mosaic.version = 14 : i64} {
  func.func @_gather(%arg0: i32, %arg1: i32, %arg2: memref<1000000x64xf32, #tpu.memory_space<hbm>>, %arg3: memref<327680xi32, #tpu.memory_space<hbm>>, %arg4: memref<327680x128xf32, #tpu.memory_space<hbm>>, %arg5: memref<10240xi32, #tpu.memory_space<vmem>>, %arg6: memref<1024x64xf32, #tpu.memory_space<vmem>>, %arg7: memref<!tpu.dma_semaphore, #tpu.memory_space<semaphore_mem>>) attributes {dimension_semantics = [#tpu.dimension_semantics<core_parallel>, #tpu.dimension_semantics<subcore_parallel>], iteration_bounds = array<i64: 2, 16>, scalar_prefetch = 0 : i64, scratch_operands = 3 : i64, tpu.core_type = #tpu.core_type<sc_vector_subcore>, window_params = [{transform_indices = #map}, {transform_indices = #map1}, {transform_indices = #map}]} {
    %mul3A = arith.constant 2 : i32
    %mul3A_0 = arith.muli %arg1, %mul3A : i32
    %add3A = arith.addi %mul3A_0, %arg0 : i32
    %mul3A_1 = arith.constant 10240 : i32
    %mul3A_2 = arith.muli %add3A, %mul3A_1 : i32
    "tpu.region"() ({
      %run_scoped3A = tpu.sem_alloc : memref<!tpu.dma_semaphore, #tpu.memory_space<semaphore_mem>>
      %dma_start3A = tpu.memref_slice %arg3[%mul3A_2] : memref<327680xi32, #tpu.memory_space<hbm>> -> memref<10240xi32, #tpu.memory_space<hbm>>
      %dma_start3A_8 = tpu.memref_slice %arg3[%mul3A_2] : memref<327680xi32, #tpu.memory_space<hbm>> -> memref<10240xi32, #tpu.memory_space<hbm>>
      tpu.enqueue_dma source(%dma_start3A_8 : memref<10240xi32, #tpu.memory_space<hbm>>) target(%arg5 : memref<10240xi32, #tpu.memory_space<vmem>>) target_semaphore(%run_scoped3A : memref<!tpu.dma_semaphore, #tpu.memory_space<semaphore_mem>>)
      %dma_wait3A = tpu.memref_slice %arg3[%mul3A_2] : memref<327680xi32, #tpu.memory_space<hbm>> -> memref<10240xi32, #tpu.memory_space<hbm>>
      %dma_wait3A_9 = tpu.memref_slice %arg3[%mul3A_2] : memref<327680xi32, #tpu.memory_space<hbm>> -> memref<10240xi32, #tpu.memory_space<hbm>>
      tpu.wait_dma2 semaphore(%run_scoped3A : memref<!tpu.dma_semaphore, #tpu.memory_space<semaphore_mem>>) src(%dma_wait3A_9 : memref<10240xi32, #tpu.memory_space<hbm>>) dst(%arg5 : memref<10240xi32, #tpu.memory_space<vmem>>)
      tpu.yield
    }) : () -> ()
    %scan3A = arith.constant 0 : i32
    %scan3A_3 = arith.constant 0 : i32
    %scan3A_4 = arith.constant 10 : i32
    %scan3A_5 = arith.addi %scan3A_3, %scan3A_4 : i32
    %scan3A_6 = arith.constant 1 : i32
    scf.for %scan3A_8 = %scan3A_3 to %scan3A_5 step %scan3A_6  : i32 {
      %mul3A_9 = arith.constant 1024 : i32
      %mul3A_10 = arith.muli %scan3A_8, %mul3A_9 : i32
      %add3A_11 = arith.constant 0 : i32
      %add3A_12 = arith.addi %mul3A_10, %add3A_11 : i32
      %dma_start3A = arith.constant 0 : i32
      %dma_start3A_13 = arith.constant 0 : i32
      %dma_start3A_14 = tpu.memref_slice %arg6[%dma_start3A, %dma_start3A_13] : memref<1024x64xf32, #tpu.memory_space<vmem>> -> memref<128x64xf32, #tpu.memory_space<vmem>>
      %dma_start3A_15 = tpu.memref_slice %arg5[%add3A_12] : memref<10240xi32, #tpu.memory_space<vmem>> -> memref<128xi32, #tpu.memory_space<vmem>>
      %dma_start3A_16 = arith.constant 0 : i32
      %dma_start3A_17 = arith.constant 0 : i32
      %dma_start3A_18 = tpu.memref_slice %arg2[%dma_start3A_16, %dma_start3A_17] : memref<1000000x64xf32, #tpu.memory_space<hbm>> -> memref<1000000x64xf32, #tpu.memory_space<hbm>>
      tpu.enqueue_indirect_dma source(%dma_start3A_18 : memref<1000000x64xf32, #tpu.memory_space<hbm>>) target(%dma_start3A_14 : memref<128x64xf32, #tpu.memory_space<vmem>>) offsets(%dma_start3A_15 : memref<128xi32, #tpu.memory_space<vmem>>) semaphore(%arg7 : memref<!tpu.dma_semaphore, #tpu.memory_space<semaphore_mem>>)
      %add3A_19 = arith.constant 128 : i32
      %add3A_20 = arith.addi %mul3A_10, %add3A_19 : i32
      %dma_start3A_21 = arith.constant 128 : i32
      %dma_start3A_22 = arith.constant 0 : i32
      %dma_start3A_23 = tpu.memref_slice %arg6[%dma_start3A_21, %dma_start3A_22] : memref<1024x64xf32, #tpu.memory_space<vmem>> -> memref<128x64xf32, #tpu.memory_space<vmem>>
      %dma_start3A_24 = tpu.memref_slice %arg5[%add3A_20] : memref<10240xi32, #tpu.memory_space<vmem>> -> memref<128xi32, #tpu.memory_space<vmem>>
      %dma_start3A_25 = arith.constant 0 : i32
      %dma_start3A_26 = arith.constant 0 : i32
      %dma_start3A_27 = tpu.memref_slice %arg2[%dma_start3A_25, %dma_start3A_26] : memref<1000000x64xf32, #tpu.memory_space<hbm>> -> memref<1000000x64xf32, #tpu.memory_space<hbm>>
      tpu.enqueue_indirect_dma source(%dma_start3A_27 : memref<1000000x64xf32, #tpu.memory_space<hbm>>) target(%dma_start3A_23 : memref<128x64xf32, #tpu.memory_space<vmem>>) offsets(%dma_start3A_24 : memref<128xi32, #tpu.memory_space<vmem>>) semaphore(%arg7 : memref<!tpu.dma_semaphore, #tpu.memory_space<semaphore_mem>>)
      %add3A_28 = arith.constant 256 : i32
      %add3A_29 = arith.addi %mul3A_10, %add3A_28 : i32
      %dma_start3A_30 = arith.constant 256 : i32
      %dma_start3A_31 = arith.constant 0 : i32
      %dma_start3A_32 = tpu.memref_slice %arg6[%dma_start3A_30, %dma_start3A_31] : memref<1024x64xf32, #tpu.memory_space<vmem>> -> memref<128x64xf32, #tpu.memory_space<vmem>>
      %dma_start3A_33 = tpu.memref_slice %arg5[%add3A_29] : memref<10240xi32, #tpu.memory_space<vmem>> -> memref<128xi32, #tpu.memory_space<vmem>>
      %dma_start3A_34 = arith.constant 0 : i32
      %dma_start3A_35 = arith.constant 0 : i32
      %dma_start3A_36 = tpu.memref_slice %arg2[%dma_start3A_34, %dma_start3A_35] : memref<1000000x64xf32, #tpu.memory_space<hbm>> -> memref<1000000x64xf32, #tpu.memory_space<hbm>>
      tpu.enqueue_indirect_dma source(%dma_start3A_36 : memref<1000000x64xf32, #tpu.memory_space<hbm>>) target(%dma_start3A_32 : memref<128x64xf32, #tpu.memory_space<vmem>>) offsets(%dma_start3A_33 : memref<128xi32, #tpu.memory_space<vmem>>) semaphore(%arg7 : memref<!tpu.dma_semaphore, #tpu.memory_space<semaphore_mem>>)
      %add3A_37 = arith.constant 384 : i32
      %add3A_38 = arith.addi %mul3A_10, %add3A_37 : i32
      %dma_start3A_39 = arith.constant 384 : i32
      %dma_start3A_40 = arith.constant 0 : i32
      %dma_start3A_41 = tpu.memref_slice %arg6[%dma_start3A_39, %dma_start3A_40] : memref<1024x64xf32, #tpu.memory_space<vmem>> -> memref<128x64xf32, #tpu.memory_space<vmem>>
      %dma_start3A_42 = tpu.memref_slice %arg5[%add3A_38] : memref<10240xi32, #tpu.memory_space<vmem>> -> memref<128xi32, #tpu.memory_space<vmem>>
      %dma_start3A_43 = arith.constant 0 : i32
      %dma_start3A_44 = arith.constant 0 : i32
      %dma_start3A_45 = tpu.memref_slice %arg2[%dma_start3A_43, %dma_start3A_44] : memref<1000000x64xf32, #tpu.memory_space<hbm>> -> memref<1000000x64xf32, #tpu.memory_space<hbm>>
      tpu.enqueue_indirect_dma source(%dma_start3A_45 : memref<1000000x64xf32, #tpu.memory_space<hbm>>) target(%dma_start3A_41 : memref<128x64xf32, #tpu.memory_space<vmem>>) offsets(%dma_start3A_42 : memref<128xi32, #tpu.memory_space<vmem>>) semaphore(%arg7 : memref<!tpu.dma_semaphore, #tpu.memory_space<semaphore_mem>>)
      %add3A_46 = arith.constant 512 : i32
      %add3A_47 = arith.addi %mul3A_10, %add3A_46 : i32
      %dma_start3A_48 = arith.constant 512 : i32
      %dma_start3A_49 = arith.constant 0 : i32
      %dma_start3A_50 = tpu.memref_slice %arg6[%dma_start3A_48, %dma_start3A_49] : memref<1024x64xf32, #tpu.memory_space<vmem>> -> memref<128x64xf32, #tpu.memory_space<vmem>>
      %dma_start3A_51 = tpu.memref_slice %arg5[%add3A_47] : memref<10240xi32, #tpu.memory_space<vmem>> -> memref<128xi32, #tpu.memory_space<vmem>>
      %dma_start3A_52 = arith.constant 0 : i32
      %dma_start3A_53 = arith.constant 0 : i32
      %dma_start3A_54 = tpu.memref_slice %arg2[%dma_start3A_52, %dma_start3A_53] : memref<1000000x64xf32, #tpu.memory_space<hbm>> -> memref<1000000x64xf32, #tpu.memory_space<hbm>>
      tpu.enqueue_indirect_dma source(%dma_start3A_54 : memref<1000000x64xf32, #tpu.memory_space<hbm>>) target(%dma_start3A_50 : memref<128x64xf32, #tpu.memory_space<vmem>>) offsets(%dma_start3A_51 : memref<128xi32, #tpu.memory_space<vmem>>) semaphore(%arg7 : memref<!tpu.dma_semaphore, #tpu.memory_space<semaphore_mem>>)
      %add3A_55 = arith.constant 640 : i32
      %add3A_56 = arith.addi %mul3A_10, %add3A_55 : i32
      %dma_start3A_57 = arith.constant 640 : i32
      %dma_start3A_58 = arith.constant 0 : i32
      %dma_start3A_59 = tpu.memref_slice %arg6[%dma_start3A_57, %dma_start3A_58] : memref<1024x64xf32, #tpu.memory_space<vmem>> -> memref<128x64xf32, #tpu.memory_space<vmem>>
      %dma_start3A_60 = tpu.memref_slice %arg5[%add3A_56] : memref<10240xi32, #tpu.memory_space<vmem>> -> memref<128xi32, #tpu.memory_space<vmem>>
      %dma_start3A_61 = arith.constant 0 : i32
      %dma_start3A_62 = arith.constant 0 : i32
      %dma_start3A_63 = tpu.memref_slice %arg2[%dma_start3A_61, %dma_start3A_62] : memref<1000000x64xf32, #tpu.memory_space<hbm>> -> memref<1000000x64xf32, #tpu.memory_space<hbm>>
      tpu.enqueue_indirect_dma source(%dma_start3A_63 : memref<1000000x64xf32, #tpu.memory_space<hbm>>) target(%dma_start3A_59 : memref<128x64xf32, #tpu.memory_space<vmem>>) offsets(%dma_start3A_60 : memref<128xi32, #tpu.memory_space<vmem>>) semaphore(%arg7 : memref<!tpu.dma_semaphore, #tpu.memory_space<semaphore_mem>>)
      %add3A_64 = arith.constant 768 : i32
      %add3A_65 = arith.addi %mul3A_10, %add3A_64 : i32
      %dma_start3A_66 = arith.constant 768 : i32
      %dma_start3A_67 = arith.constant 0 : i32
      %dma_start3A_68 = tpu.memref_slice %arg6[%dma_start3A_66, %dma_start3A_67] : memref<1024x64xf32, #tpu.memory_space<vmem>> -> memref<128x64xf32, #tpu.memory_space<vmem>>
      %dma_start3A_69 = tpu.memref_slice %arg5[%add3A_65] : memref<10240xi32, #tpu.memory_space<vmem>> -> memref<128xi32, #tpu.memory_space<vmem>>
      %dma_start3A_70 = arith.constant 0 : i32
      %dma_start3A_71 = arith.constant 0 : i32
      %dma_start3A_72 = tpu.memref_slice %arg2[%dma_start3A_70, %dma_start3A_71] : memref<1000000x64xf32, #tpu.memory_space<hbm>> -> memref<1000000x64xf32, #tpu.memory_space<hbm>>
      tpu.enqueue_indirect_dma source(%dma_start3A_72 : memref<1000000x64xf32, #tpu.memory_space<hbm>>) target(%dma_start3A_68 : memref<128x64xf32, #tpu.memory_space<vmem>>) offsets(%dma_start3A_69 : memref<128xi32, #tpu.memory_space<vmem>>) semaphore(%arg7 : memref<!tpu.dma_semaphore, #tpu.memory_space<semaphore_mem>>)
      %add3A_73 = arith.constant 896 : i32
      %add3A_74 = arith.addi %mul3A_10, %add3A_73 : i32
      %dma_start3A_75 = arith.constant 896 : i32
      %dma_start3A_76 = arith.constant 0 : i32
      %dma_start3A_77 = tpu.memref_slice %arg6[%dma_start3A_75, %dma_start3A_76] : memref<1024x64xf32, #tpu.memory_space<vmem>> -> memref<128x64xf32, #tpu.memory_space<vmem>>
      %dma_start3A_78 = tpu.memref_slice %arg5[%add3A_74] : memref<10240xi32, #tpu.memory_space<vmem>> -> memref<128xi32, #tpu.memory_space<vmem>>
      %dma_start3A_79 = arith.constant 0 : i32
      %dma_start3A_80 = arith.constant 0 : i32
      %dma_start3A_81 = tpu.memref_slice %arg2[%dma_start3A_79, %dma_start3A_80] : memref<1000000x64xf32, #tpu.memory_space<hbm>> -> memref<1000000x64xf32, #tpu.memory_space<hbm>>
      tpu.enqueue_indirect_dma source(%dma_start3A_81 : memref<1000000x64xf32, #tpu.memory_space<hbm>>) target(%dma_start3A_77 : memref<128x64xf32, #tpu.memory_space<vmem>>) offsets(%dma_start3A_78 : memref<128xi32, #tpu.memory_space<vmem>>) semaphore(%arg7 : memref<!tpu.dma_semaphore, #tpu.memory_space<semaphore_mem>>)
      %dma_wait3A = arith.constant 0 : i32
      %dma_wait3A_82 = arith.constant 0 : i32
      %dma_wait3A_83 = tpu.memref_slice %arg6[%dma_wait3A, %dma_wait3A_82] : memref<1024x64xf32, #tpu.memory_space<vmem>> -> memref<128x64xf32, #tpu.memory_space<vmem>>
      %dma_wait3A_84 = tpu.memref_slice %arg5[%add3A_12] : memref<10240xi32, #tpu.memory_space<vmem>> -> memref<128xi32, #tpu.memory_space<vmem>>
      %dma_wait3A_85 = arith.constant 0 : i32
      %dma_wait3A_86 = arith.constant 0 : i32
      %dma_wait3A_87 = tpu.memref_slice %arg2[%dma_wait3A_85, %dma_wait3A_86] : memref<1000000x64xf32, #tpu.memory_space<hbm>> -> memref<1000000x64xf32, #tpu.memory_space<hbm>>
      tpu.wait_indirect_dma semaphore(%arg7 : memref<!tpu.dma_semaphore, #tpu.memory_space<semaphore_mem>>) src(%dma_wait3A_87 : memref<1000000x64xf32, #tpu.memory_space<hbm>>) dst(%dma_wait3A_83 : memref<128x64xf32, #tpu.memory_space<vmem>>)
      %dma_wait3A_88 = arith.constant 128 : i32
      %dma_wait3A_89 = arith.constant 0 : i32
      %dma_wait3A_90 = tpu.memref_slice %arg6[%dma_wait3A_88, %dma_wait3A_89] : memref<1024x64xf32, #tpu.memory_space<vmem>> -> memref<128x64xf32, #tpu.memory_space<vmem>>
      %dma_wait3A_91 = tpu.memref_slice %arg5[%add3A_20] : memref<10240xi32, #tpu.memory_space<vmem>> -> memref<128xi32, #tpu.memory_space<vmem>>
      %dma_wait3A_92 = arith.constant 0 : i32
      %dma_wait3A_93 = arith.constant 0 : i32
      %dma_wait3A_94 = tpu.memref_slice %arg2[%dma_wait3A_92, %dma_wait3A_93] : memref<1000000x64xf32, #tpu.memory_space<hbm>> -> memref<1000000x64xf32, #tpu.memory_space<hbm>>
      tpu.wait_indirect_dma semaphore(%arg7 : memref<!tpu.dma_semaphore, #tpu.memory_space<semaphore_mem>>) src(%dma_wait3A_94 : memref<1000000x64xf32, #tpu.memory_space<hbm>>) dst(%dma_wait3A_90 : memref<128x64xf32, #tpu.memory_space<vmem>>)
      %dma_wait3A_95 = arith.constant 256 : i32
      %dma_wait3A_96 = arith.constant 0 : i32
      %dma_wait3A_97 = tpu.memref_slice %arg6[%dma_wait3A_95, %dma_wait3A_96] : memref<1024x64xf32, #tpu.memory_space<vmem>> -> memref<128x64xf32, #tpu.memory_space<vmem>>
      %dma_wait3A_98 = tpu.memref_slice %arg5[%add3A_29] : memref<10240xi32, #tpu.memory_space<vmem>> -> memref<128xi32, #tpu.memory_space<vmem>>
      %dma_wait3A_99 = arith.constant 0 : i32
      %dma_wait3A_100 = arith.constant 0 : i32
      %dma_wait3A_101 = tpu.memref_slice %arg2[%dma_wait3A_99, %dma_wait3A_100] : memref<1000000x64xf32, #tpu.memory_space<hbm>> -> memref<1000000x64xf32, #tpu.memory_space<hbm>>
      tpu.wait_indirect_dma semaphore(%arg7 : memref<!tpu.dma_semaphore, #tpu.memory_space<semaphore_mem>>) src(%dma_wait3A_101 : memref<1000000x64xf32, #tpu.memory_space<hbm>>) dst(%dma_wait3A_97 : memref<128x64xf32, #tpu.memory_space<vmem>>)
      %dma_wait3A_102 = arith.constant 384 : i32
      %dma_wait3A_103 = arith.constant 0 : i32
      %dma_wait3A_104 = tpu.memref_slice %arg6[%dma_wait3A_102, %dma_wait3A_103] : memref<1024x64xf32, #tpu.memory_space<vmem>> -> memref<128x64xf32, #tpu.memory_space<vmem>>
      %dma_wait3A_105 = tpu.memref_slice %arg5[%add3A_38] : memref<10240xi32, #tpu.memory_space<vmem>> -> memref<128xi32, #tpu.memory_space<vmem>>
      %dma_wait3A_106 = arith.constant 0 : i32
      %dma_wait3A_107 = arith.constant 0 : i32
      %dma_wait3A_108 = tpu.memref_slice %arg2[%dma_wait3A_106, %dma_wait3A_107] : memref<1000000x64xf32, #tpu.memory_space<hbm>> -> memref<1000000x64xf32, #tpu.memory_space<hbm>>
      tpu.wait_indirect_dma semaphore(%arg7 : memref<!tpu.dma_semaphore, #tpu.memory_space<semaphore_mem>>) src(%dma_wait3A_108 : memref<1000000x64xf32, #tpu.memory_space<hbm>>) dst(%dma_wait3A_104 : memref<128x64xf32, #tpu.memory_space<vmem>>)
      %dma_wait3A_109 = arith.constant 512 : i32
      %dma_wait3A_110 = arith.constant 0 : i32
      %dma_wait3A_111 = tpu.memref_slice %arg6[%dma_wait3A_109, %dma_wait3A_110] : memref<1024x64xf32, #tpu.memory_space<vmem>> -> memref<128x64xf32, #tpu.memory_space<vmem>>
      %dma_wait3A_112 = tpu.memref_slice %arg5[%add3A_47] : memref<10240xi32, #tpu.memory_space<vmem>> -> memref<128xi32, #tpu.memory_space<vmem>>
      %dma_wait3A_113 = arith.constant 0 : i32
      %dma_wait3A_114 = arith.constant 0 : i32
      %dma_wait3A_115 = tpu.memref_slice %arg2[%dma_wait3A_113, %dma_wait3A_114] : memref<1000000x64xf32, #tpu.memory_space<hbm>> -> memref<1000000x64xf32, #tpu.memory_space<hbm>>
      tpu.wait_indirect_dma semaphore(%arg7 : memref<!tpu.dma_semaphore, #tpu.memory_space<semaphore_mem>>) src(%dma_wait3A_115 : memref<1000000x64xf32, #tpu.memory_space<hbm>>) dst(%dma_wait3A_111 : memref<128x64xf32, #tpu.memory_space<vmem>>)
      %dma_wait3A_116 = arith.constant 640 : i32
      %dma_wait3A_117 = arith.constant 0 : i32
      %dma_wait3A_118 = tpu.memref_slice %arg6[%dma_wait3A_116, %dma_wait3A_117] : memref<1024x64xf32, #tpu.memory_space<vmem>> -> memref<128x64xf32, #tpu.memory_space<vmem>>
      %dma_wait3A_119 = tpu.memref_slice %arg5[%add3A_56] : memref<10240xi32, #tpu.memory_space<vmem>> -> memref<128xi32, #tpu.memory_space<vmem>>
      %dma_wait3A_120 = arith.constant 0 : i32
      %dma_wait3A_121 = arith.constant 0 : i32
      %dma_wait3A_122 = tpu.memref_slice %arg2[%dma_wait3A_120, %dma_wait3A_121] : memref<1000000x64xf32, #tpu.memory_space<hbm>> -> memref<1000000x64xf32, #tpu.memory_space<hbm>>
      tpu.wait_indirect_dma semaphore(%arg7 : memref<!tpu.dma_semaphore, #tpu.memory_space<semaphore_mem>>) src(%dma_wait3A_122 : memref<1000000x64xf32, #tpu.memory_space<hbm>>) dst(%dma_wait3A_118 : memref<128x64xf32, #tpu.memory_space<vmem>>)
      %dma_wait3A_123 = arith.constant 768 : i32
      %dma_wait3A_124 = arith.constant 0 : i32
      %dma_wait3A_125 = tpu.memref_slice %arg6[%dma_wait3A_123, %dma_wait3A_124] : memref<1024x64xf32, #tpu.memory_space<vmem>> -> memref<128x64xf32, #tpu.memory_space<vmem>>
      %dma_wait3A_126 = tpu.memref_slice %arg5[%add3A_65] : memref<10240xi32, #tpu.memory_space<vmem>> -> memref<128xi32, #tpu.memory_space<vmem>>
      %dma_wait3A_127 = arith.constant 0 : i32
      %dma_wait3A_128 = arith.constant 0 : i32
      %dma_wait3A_129 = tpu.memref_slice %arg2[%dma_wait3A_127, %dma_wait3A_128] : memref<1000000x64xf32, #tpu.memory_space<hbm>> -> memref<1000000x64xf32, #tpu.memory_space<hbm>>
      tpu.wait_indirect_dma semaphore(%arg7 : memref<!tpu.dma_semaphore, #tpu.memory_space<semaphore_mem>>) src(%dma_wait3A_129 : memref<1000000x64xf32, #tpu.memory_space<hbm>>) dst(%dma_wait3A_125 : memref<128x64xf32, #tpu.memory_space<vmem>>)
      %dma_wait3A_130 = arith.constant 896 : i32
      %dma_wait3A_131 = arith.constant 0 : i32
      %dma_wait3A_132 = tpu.memref_slice %arg6[%dma_wait3A_130, %dma_wait3A_131] : memref<1024x64xf32, #tpu.memory_space<vmem>> -> memref<128x64xf32, #tpu.memory_space<vmem>>
      %dma_wait3A_133 = tpu.memref_slice %arg5[%add3A_74] : memref<10240xi32, #tpu.memory_space<vmem>> -> memref<128xi32, #tpu.memory_space<vmem>>
      %dma_wait3A_134 = arith.constant 0 : i32
      %dma_wait3A_135 = arith.constant 0 : i32
      %dma_wait3A_136 = tpu.memref_slice %arg2[%dma_wait3A_134, %dma_wait3A_135] : memref<1000000x64xf32, #tpu.memory_space<hbm>> -> memref<1000000x64xf32, #tpu.memory_space<hbm>>
      tpu.wait_indirect_dma semaphore(%arg7 : memref<!tpu.dma_semaphore, #tpu.memory_space<semaphore_mem>>) src(%dma_wait3A_136 : memref<1000000x64xf32, #tpu.memory_space<hbm>>) dst(%dma_wait3A_132 : memref<128x64xf32, #tpu.memory_space<vmem>>)
      %add3A_137 = arith.addi %mul3A_2, %mul3A_10 : i32
      "tpu.region"() ({
        %run_scoped3A = tpu.sem_alloc : memref<!tpu.dma_semaphore, #tpu.memory_space<semaphore_mem>>
        %dma_start3A_138 = arith.constant 0 : i32
        %dma_start3A_139 = tpu.memref_slice %arg4[%add3A_137, %dma_start3A_138] : memref<327680x128xf32, #tpu.memory_space<hbm>> -> memref<1024x64xf32, #tpu.memory_space<hbm>>
        %dma_start3A_140 = arith.constant 0 : i32
        %dma_start3A_141 = tpu.memref_slice %arg4[%add3A_137, %dma_start3A_140] : memref<327680x128xf32, #tpu.memory_space<hbm>> -> memref<1024x64xf32, #tpu.memory_space<hbm>>
        tpu.enqueue_dma source(%arg6 : memref<1024x64xf32, #tpu.memory_space<vmem>>) target(%dma_start3A_141 : memref<1024x64xf32, #tpu.memory_space<hbm>>) target_semaphore(%run_scoped3A : memref<!tpu.dma_semaphore, #tpu.memory_space<semaphore_mem>>)
        %dma_wait3A_142 = arith.constant 0 : i32
        %dma_wait3A_143 = tpu.memref_slice %arg4[%add3A_137, %dma_wait3A_142] : memref<327680x128xf32, #tpu.memory_space<hbm>> -> memref<1024x64xf32, #tpu.memory_space<hbm>>
        %dma_wait3A_144 = arith.constant 0 : i32
        %dma_wait3A_145 = tpu.memref_slice %arg4[%add3A_137, %dma_wait3A_144] : memref<327680x128xf32, #tpu.memory_space<hbm>> -> memref<1024x64xf32, #tpu.memory_space<hbm>>
        tpu.wait_dma2 semaphore(%run_scoped3A : memref<!tpu.dma_semaphore, #tpu.memory_space<semaphore_mem>>) src(%arg6 : memref<1024x64xf32, #tpu.memory_space<vmem>>) dst(%dma_wait3A_145 : memref<1024x64xf32, #tpu.memory_space<hbm>>)
        tpu.yield
      }) : () -> ()
    }
    %scan3A_7 = arith.constant 10 : i32
    return
  }
}

#map = affine_map<(d0, d1) -> (0, 0)>
module attributes {stable_mosaic.version = 14 : i64} {
  func.func @_u_relayout(%arg0: i32, %arg1: i32, %arg2: memref<16x1000064xf32, #tpu.memory_space<hbm>>, %arg3: memref<125008x128xf32, #tpu.memory_space<hbm>>, %arg4: memref<16x1672xf32, #tpu.memory_space<vmem>>, %arg5: memref<208x128xf32, #tpu.memory_space<vmem>>) attributes {dimension_semantics = [#tpu.dimension_semantics<core_parallel>, #tpu.dimension_semantics<subcore_parallel>], iteration_bounds = array<i64: 2, 16>, scalar_prefetch = 0 : i64, scratch_operands = 2 : i64, tpu.core_type = #tpu.core_type<sc_vector_subcore>, window_params = [{transform_indices = #map}, {transform_indices = #map}]} {
    %mul3A = arith.constant 2 : i32
    %mul3A_0 = arith.muli %arg1, %mul3A : i32
    %add3A = arith.addi %mul3A_0, %arg0 : i32
    %iota3A = tpu.iota {dimensions = array<i32: 0>} : vector<16xi32>
    %scan3A = arith.constant 0 : i32
    %scan3A_1 = arith.constant 0 : i32
    %scan3A_2 = arith.constant 19 : i32
    %scan3A_3 = arith.addi %scan3A_1, %scan3A_2 : i32
    %scan3A_4 = arith.constant 1 : i32
    scf.for %scan3A_6 = %scan3A_1 to %scan3A_3 step %scan3A_4  : i32 {
      %mul3A_7 = arith.constant 32 : i32
      %mul3A_8 = arith.muli %scan3A_6, %mul3A_7 : i32
      %add3A_9 = arith.addi %add3A, %mul3A_8 : i32
      %lt3A = arith.constant 601 : i32
      %lt3A_10 = arith.cmpi slt, %add3A_9, %lt3A : i32
      %convert_element_type3A = arith.extui %lt3A_10 : i1 to i32
      %cond3A = arith.constant 0 : i32
      %cond3A_11 = arith.cmpi ne, %convert_element_type3A, %cond3A : i32
      scf.if %cond3A_11 {
        %mul3A_12 = arith.constant 1664 : i32
        %mul3A_13 = arith.muli %add3A_9, %mul3A_12 : i32
        %multiple_of3A = tpu.assume_multiple %mul3A_13, 1664 : i32
        %mul3A_14 = arith.constant 208 : i32
        %mul3A_15 = arith.muli %add3A_9, %mul3A_14 : i32
        %multiple_of3A_16 = tpu.assume_multiple %mul3A_15, 208 : i32
        "tpu.region"() ({
          %run_scoped3A = tpu.sem_alloc : memref<!tpu.dma_semaphore, #tpu.memory_space<semaphore_mem>>
          %dma_start3A = arith.constant 0 : i32
          %dma_start3A_23 = arith.constant 0 : i32
          %dma_start3A_24 = tpu.memref_slice %arg4[%dma_start3A, %dma_start3A_23] : memref<16x1672xf32, #tpu.memory_space<vmem>> -> memref<16x1664xf32, #tpu.memory_space<vmem>>
          %dma_start3A_25 = arith.constant 0 : i32
          %dma_start3A_26 = tpu.memref_slice %arg2[%dma_start3A_25, %multiple_of3A] : memref<16x1000064xf32, #tpu.memory_space<hbm>> -> memref<16x1664xf32, #tpu.memory_space<hbm>>
          %dma_start3A_27 = arith.constant 0 : i32
          %dma_start3A_28 = arith.constant 0 : i32
          %dma_start3A_29 = tpu.memref_slice %arg4[%dma_start3A_27, %dma_start3A_28] : memref<16x1672xf32, #tpu.memory_space<vmem>> -> memref<16x1664xf32, #tpu.memory_space<vmem>>
          %dma_start3A_30 = arith.constant 0 : i32
          %dma_start3A_31 = tpu.memref_slice %arg2[%dma_start3A_30, %multiple_of3A] : memref<16x1000064xf32, #tpu.memory_space<hbm>> -> memref<16x1664xf32, #tpu.memory_space<hbm>>
          tpu.enqueue_dma source(%dma_start3A_31 : memref<16x1664xf32, #tpu.memory_space<hbm>>) target(%dma_start3A_29 : memref<16x1664xf32, #tpu.memory_space<vmem>>) target_semaphore(%run_scoped3A : memref<!tpu.dma_semaphore, #tpu.memory_space<semaphore_mem>>)
          %dma_wait3A = arith.constant 0 : i32
          %dma_wait3A_32 = arith.constant 0 : i32
          %dma_wait3A_33 = tpu.memref_slice %arg4[%dma_wait3A, %dma_wait3A_32] : memref<16x1672xf32, #tpu.memory_space<vmem>> -> memref<16x1664xf32, #tpu.memory_space<vmem>>
          %dma_wait3A_34 = arith.constant 0 : i32
          %dma_wait3A_35 = tpu.memref_slice %arg2[%dma_wait3A_34, %multiple_of3A] : memref<16x1000064xf32, #tpu.memory_space<hbm>> -> memref<16x1664xf32, #tpu.memory_space<hbm>>
          %dma_wait3A_36 = arith.constant 0 : i32
          %dma_wait3A_37 = arith.constant 0 : i32
          %dma_wait3A_38 = tpu.memref_slice %arg4[%dma_wait3A_36, %dma_wait3A_37] : memref<16x1672xf32, #tpu.memory_space<vmem>> -> memref<16x1664xf32, #tpu.memory_space<vmem>>
          %dma_wait3A_39 = arith.constant 0 : i32
          %dma_wait3A_40 = tpu.memref_slice %arg2[%dma_wait3A_39, %multiple_of3A] : memref<16x1000064xf32, #tpu.memory_space<hbm>> -> memref<16x1664xf32, #tpu.memory_space<hbm>>
          tpu.wait_dma2 semaphore(%run_scoped3A : memref<!tpu.dma_semaphore, #tpu.memory_space<semaphore_mem>>) src(%dma_wait3A_40 : memref<16x1664xf32, #tpu.memory_space<hbm>>) dst(%dma_wait3A_38 : memref<16x1664xf32, #tpu.memory_space<vmem>>)
          tpu.yield
        }) : () -> ()
        %scan3A_17 = arith.constant 0 : i32
        %scan3A_18 = arith.constant 0 : i32
        %scan3A_19 = arith.constant 208 : i32
        %scan3A_20 = arith.addi %scan3A_18, %scan3A_19 : i32
        %scan3A_21 = arith.constant 1 : i32
        scf.for %scan3A_23 = %scan3A_18 to %scan3A_20 step %scan3A_21  : i32 {
          %mul3A_24 = arith.constant 8 : i32
          %mul3A_25 = arith.muli %scan3A_23, %mul3A_24 : i32
          %add3A_26 = arith.constant 0 : i32
          %add3A_27 = arith.addi %mul3A_25, %add3A_26 : i32
          %broadcast_in_dim3A = vector.broadcast %add3A_27 : i32 to vector<16xi32>
          %gather3A = tpu.vector_load_idx %arg4[%iota3A, %broadcast_in_dim3A] : memref<16x1672xf32, #tpu.memory_space<vmem>>[vector<16xi32>, vector<16xi32>], vector<16xf32>,
          %swap3A = arith.index_cast %scan3A_23 : i32 to index
          %swap3A_28 = arith.constant 0 : index
          %swap3A_29 = tpu.vector_load %arg5[%swap3A, %swap3A_28] {strides = array<i32>} : memref<208x128xf32, #tpu.memory_space<vmem>>, vector<16xf32>,
          tpu.vector_store %arg5[%swap3A, %swap3A_28], %gather3A {strides = array<i32>} : memref<208x128xf32, #tpu.memory_space<vmem>>, vector<16xf32>,
          %mul3A_30 = arith.constant 8 : i32
          %mul3A_31 = arith.muli %scan3A_23, %mul3A_30 : i32
          %add3A_32 = arith.constant 1 : i32
          %add3A_33 = arith.addi %mul3A_31, %add3A_32 : i32
          %broadcast_in_dim3A_34 = vector.broadcast %add3A_33 : i32 to vector<16xi32>
          %gather3A_35 = tpu.vector_load_idx %arg4[%iota3A, %broadcast_in_dim3A_34] : memref<16x1672xf32, #tpu.memory_space<vmem>>[vector<16xi32>, vector<16xi32>], vector<16xf32>,
          %swap3A_36 = arith.index_cast %scan3A_23 : i32 to index
          %swap3A_37 = arith.constant 16 : index
          %swap3A_38 = tpu.vector_load %arg5[%swap3A_36, %swap3A_37] {strides = array<i32>} : memref<208x128xf32, #tpu.memory_space<vmem>>, vector<16xf32>,
          tpu.vector_store %arg5[%swap3A_36, %swap3A_37], %gather3A_35 {strides = array<i32>} : memref<208x128xf32, #tpu.memory_space<vmem>>, vector<16xf32>,
          %mul3A_39 = arith.constant 8 : i32
          %mul3A_40 = arith.muli %scan3A_23, %mul3A_39 : i32
          %add3A_41 = arith.constant 2 : i32
          %add3A_42 = arith.addi %mul3A_40, %add3A_41 : i32
          %broadcast_in_dim3A_43 = vector.broadcast %add3A_42 : i32 to vector<16xi32>
          %gather3A_44 = tpu.vector_load_idx %arg4[%iota3A, %broadcast_in_dim3A_43] : memref<16x1672xf32, #tpu.memory_space<vmem>>[vector<16xi32>, vector<16xi32>], vector<16xf32>,
          %swap3A_45 = arith.index_cast %scan3A_23 : i32 to index
          %swap3A_46 = arith.constant 32 : index
          %swap3A_47 = tpu.vector_load %arg5[%swap3A_45, %swap3A_46] {strides = array<i32>} : memref<208x128xf32, #tpu.memory_space<vmem>>, vector<16xf32>,
          tpu.vector_store %arg5[%swap3A_45, %swap3A_46], %gather3A_44 {strides = array<i32>} : memref<208x128xf32, #tpu.memory_space<vmem>>, vector<16xf32>,
          %mul3A_48 = arith.constant 8 : i32
          %mul3A_49 = arith.muli %scan3A_23, %mul3A_48 : i32
          %add3A_50 = arith.constant 3 : i32
          %add3A_51 = arith.addi %mul3A_49, %add3A_50 : i32
          %broadcast_in_dim3A_52 = vector.broadcast %add3A_51 : i32 to vector<16xi32>
          %gather3A_53 = tpu.vector_load_idx %arg4[%iota3A, %broadcast_in_dim3A_52] : memref<16x1672xf32, #tpu.memory_space<vmem>>[vector<16xi32>, vector<16xi32>], vector<16xf32>,
          %swap3A_54 = arith.index_cast %scan3A_23 : i32 to index
          %swap3A_55 = arith.constant 48 : index
          %swap3A_56 = tpu.vector_load %arg5[%swap3A_54, %swap3A_55] {strides = array<i32>} : memref<208x128xf32, #tpu.memory_space<vmem>>, vector<16xf32>,
          tpu.vector_store %arg5[%swap3A_54, %swap3A_55], %gather3A_53 {strides = array<i32>} : memref<208x128xf32, #tpu.memory_space<vmem>>, vector<16xf32>,
          %mul3A_57 = arith.constant 8 : i32
          %mul3A_58 = arith.muli %scan3A_23, %mul3A_57 : i32
          %add3A_59 = arith.constant 4 : i32
          %add3A_60 = arith.addi %mul3A_58, %add3A_59 : i32
          %broadcast_in_dim3A_61 = vector.broadcast %add3A_60 : i32 to vector<16xi32>
          %gather3A_62 = tpu.vector_load_idx %arg4[%iota3A, %broadcast_in_dim3A_61] : memref<16x1672xf32, #tpu.memory_space<vmem>>[vector<16xi32>, vector<16xi32>], vector<16xf32>,
          %swap3A_63 = arith.index_cast %scan3A_23 : i32 to index
          %swap3A_64 = arith.constant 64 : index
          %swap3A_65 = tpu.vector_load %arg5[%swap3A_63, %swap3A_64] {strides = array<i32>} : memref<208x128xf32, #tpu.memory_space<vmem>>, vector<16xf32>,
          tpu.vector_store %arg5[%swap3A_63, %swap3A_64], %gather3A_62 {strides = array<i32>} : memref<208x128xf32, #tpu.memory_space<vmem>>, vector<16xf32>,
          %mul3A_66 = arith.constant 8 : i32
          %mul3A_67 = arith.muli %scan3A_23, %mul3A_66 : i32
          %add3A_68 = arith.constant 5 : i32
          %add3A_69 = arith.addi %mul3A_67, %add3A_68 : i32
          %broadcast_in_dim3A_70 = vector.broadcast %add3A_69 : i32 to vector<16xi32>
          %gather3A_71 = tpu.vector_load_idx %arg4[%iota3A, %broadcast_in_dim3A_70] : memref<16x1672xf32, #tpu.memory_space<vmem>>[vector<16xi32>, vector<16xi32>], vector<16xf32>,
          %swap3A_72 = arith.index_cast %scan3A_23 : i32 to index
          %swap3A_73 = arith.constant 80 : index
          %swap3A_74 = tpu.vector_load %arg5[%swap3A_72, %swap3A_73] {strides = array<i32>} : memref<208x128xf32, #tpu.memory_space<vmem>>, vector<16xf32>,
          tpu.vector_store %arg5[%swap3A_72, %swap3A_73], %gather3A_71 {strides = array<i32>} : memref<208x128xf32, #tpu.memory_space<vmem>>, vector<16xf32>,
          %mul3A_75 = arith.constant 8 : i32
          %mul3A_76 = arith.muli %scan3A_23, %mul3A_75 : i32
          %add3A_77 = arith.constant 6 : i32
          %add3A_78 = arith.addi %mul3A_76, %add3A_77 : i32
          %broadcast_in_dim3A_79 = vector.broadcast %add3A_78 : i32 to vector<16xi32>
          %gather3A_80 = tpu.vector_load_idx %arg4[%iota3A, %broadcast_in_dim3A_79] : memref<16x1672xf32, #tpu.memory_space<vmem>>[vector<16xi32>, vector<16xi32>], vector<16xf32>,
          %swap3A_81 = arith.index_cast %scan3A_23 : i32 to index
          %swap3A_82 = arith.constant 96 : index
          %swap3A_83 = tpu.vector_load %arg5[%swap3A_81, %swap3A_82] {strides = array<i32>} : memref<208x128xf32, #tpu.memory_space<vmem>>, vector<16xf32>,
          tpu.vector_store %arg5[%swap3A_81, %swap3A_82], %gather3A_80 {strides = array<i32>} : memref<208x128xf32, #tpu.memory_space<vmem>>, vector<16xf32>,
          %mul3A_84 = arith.constant 8 : i32
          %mul3A_85 = arith.muli %scan3A_23, %mul3A_84 : i32
          %add3A_86 = arith.constant 7 : i32
          %add3A_87 = arith.addi %mul3A_85, %add3A_86 : i32
          %broadcast_in_dim3A_88 = vector.broadcast %add3A_87 : i32 to vector<16xi32>
          %gather3A_89 = tpu.vector_load_idx %arg4[%iota3A, %broadcast_in_dim3A_88] : memref<16x1672xf32, #tpu.memory_space<vmem>>[vector<16xi32>, vector<16xi32>], vector<16xf32>,
          %swap3A_90 = arith.index_cast %scan3A_23 : i32 to index
          %swap3A_91 = arith.constant 112 : index
          %swap3A_92 = tpu.vector_load %arg5[%swap3A_90, %swap3A_91] {strides = array<i32>} : memref<208x128xf32, #tpu.memory_space<vmem>>, vector<16xf32>,
          tpu.vector_store %arg5[%swap3A_90, %swap3A_91], %gather3A_89 {strides = array<i32>} : memref<208x128xf32, #tpu.memory_space<vmem>>, vector<16xf32>,
        }
        %scan3A_22 = arith.constant 208 : i32
        "tpu.region"() ({
          %run_scoped3A = tpu.sem_alloc : memref<!tpu.dma_semaphore, #tpu.memory_space<semaphore_mem>>
          %dma_start3A = arith.constant 0 : i32
          %dma_start3A_23 = tpu.memref_slice %arg3[%multiple_of3A_16, %dma_start3A] : memref<125008x128xf32, #tpu.memory_space<hbm>> -> memref<208x128xf32, #tpu.memory_space<hbm>>
          %dma_start3A_24 = arith.constant 0 : i32
          %dma_start3A_25 = tpu.memref_slice %arg3[%multiple_of3A_16, %dma_start3A_24] : memref<125008x128xf32, #tpu.memory_space<hbm>> -> memref<208x128xf32, #tpu.memory_space<hbm>>
          tpu.enqueue_dma source(%arg5 : memref<208x128xf32, #tpu.memory_space<vmem>>) target(%dma_start3A_25 : memref<208x128xf32, #tpu.memory_space<hbm>>) target_semaphore(%run_scoped3A : memref<!tpu.dma_semaphore, #tpu.memory_space<semaphore_mem>>)
          %dma_wait3A = arith.constant 0 : i32
          %dma_wait3A_26 = tpu.memref_slice %arg3[%multiple_of3A_16, %dma_wait3A] : memref<125008x128xf32, #tpu.memory_space<hbm>> -> memref<208x128xf32, #tpu.memory_space<hbm>>
          %dma_wait3A_27 = arith.constant 0 : i32
          %dma_wait3A_28 = tpu.memref_slice %arg3[%multiple_of3A_16, %dma_wait3A_27] : memref<125008x128xf32, #tpu.memory_space<hbm>> -> memref<208x128xf32, #tpu.memory_space<hbm>>
          tpu.wait_dma2 semaphore(%run_scoped3A : memref<!tpu.dma_semaphore, #tpu.memory_space<semaphore_mem>>) src(%arg5 : memref<208x128xf32, #tpu.memory_space<vmem>>) dst(%dma_wait3A_28 : memref<208x128xf32, #tpu.memory_space<hbm>>)
          tpu.yield
        }) : () -> ()
      } else {
      }
    }
    %scan3A_5 = arith.constant 19 : i32
    return
  }
}

#map = affine_map<(d0, d1) -> (0, 0)>
#map1 = affine_map<(d0, d1) -> (0)>
module attributes {stable_mosaic.version = 14 : i64} {
  func.func @_gather(%arg0: i32, %arg1: i32, %arg2: memref<1000064x16xf32, #tpu.memory_space<hbm>>, %arg3: memref<327680xi32, #tpu.memory_space<hbm>>, %arg4: memref<327680x128xf32, #tpu.memory_space<hbm>>, %arg5: memref<10240xi32, #tpu.memory_space<vmem>>, %arg6: memref<1024x16xf32, #tpu.memory_space<vmem>>, %arg7: memref<!tpu.dma_semaphore, #tpu.memory_space<semaphore_mem>>) attributes {dimension_semantics = [#tpu.dimension_semantics<core_parallel>, #tpu.dimension_semantics<subcore_parallel>], iteration_bounds = array<i64: 2, 16>, scalar_prefetch = 0 : i64, scratch_operands = 3 : i64, tpu.core_type = #tpu.core_type<sc_vector_subcore>, window_params = [{transform_indices = #map}, {transform_indices = #map1}, {transform_indices = #map}]} {
    %mul3A = arith.constant 2 : i32
    %mul3A_0 = arith.muli %arg1, %mul3A : i32
    %add3A = arith.addi %mul3A_0, %arg0 : i32
    %mul3A_1 = arith.constant 10240 : i32
    %mul3A_2 = arith.muli %add3A, %mul3A_1 : i32
    "tpu.region"() ({
      %run_scoped3A = tpu.sem_alloc : memref<!tpu.dma_semaphore, #tpu.memory_space<semaphore_mem>>
      %dma_start3A = tpu.memref_slice %arg3[%mul3A_2] : memref<327680xi32, #tpu.memory_space<hbm>> -> memref<10240xi32, #tpu.memory_space<hbm>>
      %dma_start3A_8 = tpu.memref_slice %arg3[%mul3A_2] : memref<327680xi32, #tpu.memory_space<hbm>> -> memref<10240xi32, #tpu.memory_space<hbm>>
      tpu.enqueue_dma source(%dma_start3A_8 : memref<10240xi32, #tpu.memory_space<hbm>>) target(%arg5 : memref<10240xi32, #tpu.memory_space<vmem>>) target_semaphore(%run_scoped3A : memref<!tpu.dma_semaphore, #tpu.memory_space<semaphore_mem>>)
      %dma_wait3A = tpu.memref_slice %arg3[%mul3A_2] : memref<327680xi32, #tpu.memory_space<hbm>> -> memref<10240xi32, #tpu.memory_space<hbm>>
      %dma_wait3A_9 = tpu.memref_slice %arg3[%mul3A_2] : memref<327680xi32, #tpu.memory_space<hbm>> -> memref<10240xi32, #tpu.memory_space<hbm>>
      tpu.wait_dma2 semaphore(%run_scoped3A : memref<!tpu.dma_semaphore, #tpu.memory_space<semaphore_mem>>) src(%dma_wait3A_9 : memref<10240xi32, #tpu.memory_space<hbm>>) dst(%arg5 : memref<10240xi32, #tpu.memory_space<vmem>>)
      tpu.yield
    }) : () -> ()
    %scan3A = arith.constant 0 : i32
    %scan3A_3 = arith.constant 0 : i32
    %scan3A_4 = arith.constant 10 : i32
    %scan3A_5 = arith.addi %scan3A_3, %scan3A_4 : i32
    %scan3A_6 = arith.constant 1 : i32
    scf.for %scan3A_8 = %scan3A_3 to %scan3A_5 step %scan3A_6  : i32 {
      %mul3A_9 = arith.constant 1024 : i32
      %mul3A_10 = arith.muli %scan3A_8, %mul3A_9 : i32
      %add3A_11 = arith.constant 0 : i32
      %add3A_12 = arith.addi %mul3A_10, %add3A_11 : i32
      %dma_start3A = arith.constant 0 : i32
      %dma_start3A_13 = arith.constant 0 : i32
      %dma_start3A_14 = tpu.memref_slice %arg6[%dma_start3A, %dma_start3A_13] : memref<1024x16xf32, #tpu.memory_space<vmem>> -> memref<128x16xf32, #tpu.memory_space<vmem>>
      %dma_start3A_15 = tpu.memref_slice %arg5[%add3A_12] : memref<10240xi32, #tpu.memory_space<vmem>> -> memref<128xi32, #tpu.memory_space<vmem>>
      %dma_start3A_16 = arith.constant 0 : i32
      %dma_start3A_17 = arith.constant 0 : i32
      %dma_start3A_18 = tpu.memref_slice %arg2[%dma_start3A_16, %dma_start3A_17] : memref<1000064x16xf32, #tpu.memory_space<hbm>> -> memref<1000064x16xf32, #tpu.memory_space<hbm>>
      tpu.enqueue_indirect_dma source(%dma_start3A_18 : memref<1000064x16xf32, #tpu.memory_space<hbm>>) target(%dma_start3A_14 : memref<128x16xf32, #tpu.memory_space<vmem>>) offsets(%dma_start3A_15 : memref<128xi32, #tpu.memory_space<vmem>>) semaphore(%arg7 : memref<!tpu.dma_semaphore, #tpu.memory_space<semaphore_mem>>)
      %add3A_19 = arith.constant 128 : i32
      %add3A_20 = arith.addi %mul3A_10, %add3A_19 : i32
      %dma_start3A_21 = arith.constant 128 : i32
      %dma_start3A_22 = arith.constant 0 : i32
      %dma_start3A_23 = tpu.memref_slice %arg6[%dma_start3A_21, %dma_start3A_22] : memref<1024x16xf32, #tpu.memory_space<vmem>> -> memref<128x16xf32, #tpu.memory_space<vmem>>
      %dma_start3A_24 = tpu.memref_slice %arg5[%add3A_20] : memref<10240xi32, #tpu.memory_space<vmem>> -> memref<128xi32, #tpu.memory_space<vmem>>
      %dma_start3A_25 = arith.constant 0 : i32
      %dma_start3A_26 = arith.constant 0 : i32
      %dma_start3A_27 = tpu.memref_slice %arg2[%dma_start3A_25, %dma_start3A_26] : memref<1000064x16xf32, #tpu.memory_space<hbm>> -> memref<1000064x16xf32, #tpu.memory_space<hbm>>
      tpu.enqueue_indirect_dma source(%dma_start3A_27 : memref<1000064x16xf32, #tpu.memory_space<hbm>>) target(%dma_start3A_23 : memref<128x16xf32, #tpu.memory_space<vmem>>) offsets(%dma_start3A_24 : memref<128xi32, #tpu.memory_space<vmem>>) semaphore(%arg7 : memref<!tpu.dma_semaphore, #tpu.memory_space<semaphore_mem>>)
      %add3A_28 = arith.constant 256 : i32
      %add3A_29 = arith.addi %mul3A_10, %add3A_28 : i32
      %dma_start3A_30 = arith.constant 256 : i32
      %dma_start3A_31 = arith.constant 0 : i32
      %dma_start3A_32 = tpu.memref_slice %arg6[%dma_start3A_30, %dma_start3A_31] : memref<1024x16xf32, #tpu.memory_space<vmem>> -> memref<128x16xf32, #tpu.memory_space<vmem>>
      %dma_start3A_33 = tpu.memref_slice %arg5[%add3A_29] : memref<10240xi32, #tpu.memory_space<vmem>> -> memref<128xi32, #tpu.memory_space<vmem>>
      %dma_start3A_34 = arith.constant 0 : i32
      %dma_start3A_35 = arith.constant 0 : i32
      %dma_start3A_36 = tpu.memref_slice %arg2[%dma_start3A_34, %dma_start3A_35] : memref<1000064x16xf32, #tpu.memory_space<hbm>> -> memref<1000064x16xf32, #tpu.memory_space<hbm>>
      tpu.enqueue_indirect_dma source(%dma_start3A_36 : memref<1000064x16xf32, #tpu.memory_space<hbm>>) target(%dma_start3A_32 : memref<128x16xf32, #tpu.memory_space<vmem>>) offsets(%dma_start3A_33 : memref<128xi32, #tpu.memory_space<vmem>>) semaphore(%arg7 : memref<!tpu.dma_semaphore, #tpu.memory_space<semaphore_mem>>)
      %add3A_37 = arith.constant 384 : i32
      %add3A_38 = arith.addi %mul3A_10, %add3A_37 : i32
      %dma_start3A_39 = arith.constant 384 : i32
      %dma_start3A_40 = arith.constant 0 : i32
      %dma_start3A_41 = tpu.memref_slice %arg6[%dma_start3A_39, %dma_start3A_40] : memref<1024x16xf32, #tpu.memory_space<vmem>> -> memref<128x16xf32, #tpu.memory_space<vmem>>
      %dma_start3A_42 = tpu.memref_slice %arg5[%add3A_38] : memref<10240xi32, #tpu.memory_space<vmem>> -> memref<128xi32, #tpu.memory_space<vmem>>
      %dma_start3A_43 = arith.constant 0 : i32
      %dma_start3A_44 = arith.constant 0 : i32
      %dma_start3A_45 = tpu.memref_slice %arg2[%dma_start3A_43, %dma_start3A_44] : memref<1000064x16xf32, #tpu.memory_space<hbm>> -> memref<1000064x16xf32, #tpu.memory_space<hbm>>
      tpu.enqueue_indirect_dma source(%dma_start3A_45 : memref<1000064x16xf32, #tpu.memory_space<hbm>>) target(%dma_start3A_41 : memref<128x16xf32, #tpu.memory_space<vmem>>) offsets(%dma_start3A_42 : memref<128xi32, #tpu.memory_space<vmem>>) semaphore(%arg7 : memref<!tpu.dma_semaphore, #tpu.memory_space<semaphore_mem>>)
      %add3A_46 = arith.constant 512 : i32
      %add3A_47 = arith.addi %mul3A_10, %add3A_46 : i32
      %dma_start3A_48 = arith.constant 512 : i32
      %dma_start3A_49 = arith.constant 0 : i32
      %dma_start3A_50 = tpu.memref_slice %arg6[%dma_start3A_48, %dma_start3A_49] : memref<1024x16xf32, #tpu.memory_space<vmem>> -> memref<128x16xf32, #tpu.memory_space<vmem>>
      %dma_start3A_51 = tpu.memref_slice %arg5[%add3A_47] : memref<10240xi32, #tpu.memory_space<vmem>> -> memref<128xi32, #tpu.memory_space<vmem>>
      %dma_start3A_52 = arith.constant 0 : i32
      %dma_start3A_53 = arith.constant 0 : i32
      %dma_start3A_54 = tpu.memref_slice %arg2[%dma_start3A_52, %dma_start3A_53] : memref<1000064x16xf32, #tpu.memory_space<hbm>> -> memref<1000064x16xf32, #tpu.memory_space<hbm>>
      tpu.enqueue_indirect_dma source(%dma_start3A_54 : memref<1000064x16xf32, #tpu.memory_space<hbm>>) target(%dma_start3A_50 : memref<128x16xf32, #tpu.memory_space<vmem>>) offsets(%dma_start3A_51 : memref<128xi32, #tpu.memory_space<vmem>>) semaphore(%arg7 : memref<!tpu.dma_semaphore, #tpu.memory_space<semaphore_mem>>)
      %add3A_55 = arith.constant 640 : i32
      %add3A_56 = arith.addi %mul3A_10, %add3A_55 : i32
      %dma_start3A_57 = arith.constant 640 : i32
      %dma_start3A_58 = arith.constant 0 : i32
      %dma_start3A_59 = tpu.memref_slice %arg6[%dma_start3A_57, %dma_start3A_58] : memref<1024x16xf32, #tpu.memory_space<vmem>> -> memref<128x16xf32, #tpu.memory_space<vmem>>
      %dma_start3A_60 = tpu.memref_slice %arg5[%add3A_56] : memref<10240xi32, #tpu.memory_space<vmem>> -> memref<128xi32, #tpu.memory_space<vmem>>
      %dma_start3A_61 = arith.constant 0 : i32
      %dma_start3A_62 = arith.constant 0 : i32
      %dma_start3A_63 = tpu.memref_slice %arg2[%dma_start3A_61, %dma_start3A_62] : memref<1000064x16xf32, #tpu.memory_space<hbm>> -> memref<1000064x16xf32, #tpu.memory_space<hbm>>
      tpu.enqueue_indirect_dma source(%dma_start3A_63 : memref<1000064x16xf32, #tpu.memory_space<hbm>>) target(%dma_start3A_59 : memref<128x16xf32, #tpu.memory_space<vmem>>) offsets(%dma_start3A_60 : memref<128xi32, #tpu.memory_space<vmem>>) semaphore(%arg7 : memref<!tpu.dma_semaphore, #tpu.memory_space<semaphore_mem>>)
      %add3A_64 = arith.constant 768 : i32
      %add3A_65 = arith.addi %mul3A_10, %add3A_64 : i32
      %dma_start3A_66 = arith.constant 768 : i32
      %dma_start3A_67 = arith.constant 0 : i32
      %dma_start3A_68 = tpu.memref_slice %arg6[%dma_start3A_66, %dma_start3A_67] : memref<1024x16xf32, #tpu.memory_space<vmem>> -> memref<128x16xf32, #tpu.memory_space<vmem>>
      %dma_start3A_69 = tpu.memref_slice %arg5[%add3A_65] : memref<10240xi32, #tpu.memory_space<vmem>> -> memref<128xi32, #tpu.memory_space<vmem>>
      %dma_start3A_70 = arith.constant 0 : i32
      %dma_start3A_71 = arith.constant 0 : i32
      %dma_start3A_72 = tpu.memref_slice %arg2[%dma_start3A_70, %dma_start3A_71] : memref<1000064x16xf32, #tpu.memory_space<hbm>> -> memref<1000064x16xf32, #tpu.memory_space<hbm>>
      tpu.enqueue_indirect_dma source(%dma_start3A_72 : memref<1000064x16xf32, #tpu.memory_space<hbm>>) target(%dma_start3A_68 : memref<128x16xf32, #tpu.memory_space<vmem>>) offsets(%dma_start3A_69 : memref<128xi32, #tpu.memory_space<vmem>>) semaphore(%arg7 : memref<!tpu.dma_semaphore, #tpu.memory_space<semaphore_mem>>)
      %add3A_73 = arith.constant 896 : i32
      %add3A_74 = arith.addi %mul3A_10, %add3A_73 : i32
      %dma_start3A_75 = arith.constant 896 : i32
      %dma_start3A_76 = arith.constant 0 : i32
      %dma_start3A_77 = tpu.memref_slice %arg6[%dma_start3A_75, %dma_start3A_76] : memref<1024x16xf32, #tpu.memory_space<vmem>> -> memref<128x16xf32, #tpu.memory_space<vmem>>
      %dma_start3A_78 = tpu.memref_slice %arg5[%add3A_74] : memref<10240xi32, #tpu.memory_space<vmem>> -> memref<128xi32, #tpu.memory_space<vmem>>
      %dma_start3A_79 = arith.constant 0 : i32
      %dma_start3A_80 = arith.constant 0 : i32
      %dma_start3A_81 = tpu.memref_slice %arg2[%dma_start3A_79, %dma_start3A_80] : memref<1000064x16xf32, #tpu.memory_space<hbm>> -> memref<1000064x16xf32, #tpu.memory_space<hbm>>
      tpu.enqueue_indirect_dma source(%dma_start3A_81 : memref<1000064x16xf32, #tpu.memory_space<hbm>>) target(%dma_start3A_77 : memref<128x16xf32, #tpu.memory_space<vmem>>) offsets(%dma_start3A_78 : memref<128xi32, #tpu.memory_space<vmem>>) semaphore(%arg7 : memref<!tpu.dma_semaphore, #tpu.memory_space<semaphore_mem>>)
      %dma_wait3A = arith.constant 0 : i32
      %dma_wait3A_82 = arith.constant 0 : i32
      %dma_wait3A_83 = tpu.memref_slice %arg6[%dma_wait3A, %dma_wait3A_82] : memref<1024x16xf32, #tpu.memory_space<vmem>> -> memref<128x16xf32, #tpu.memory_space<vmem>>
      %dma_wait3A_84 = tpu.memref_slice %arg5[%add3A_12] : memref<10240xi32, #tpu.memory_space<vmem>> -> memref<128xi32, #tpu.memory_space<vmem>>
      %dma_wait3A_85 = arith.constant 0 : i32
      %dma_wait3A_86 = arith.constant 0 : i32
      %dma_wait3A_87 = tpu.memref_slice %arg2[%dma_wait3A_85, %dma_wait3A_86] : memref<1000064x16xf32, #tpu.memory_space<hbm>> -> memref<1000064x16xf32, #tpu.memory_space<hbm>>
      tpu.wait_indirect_dma semaphore(%arg7 : memref<!tpu.dma_semaphore, #tpu.memory_space<semaphore_mem>>) src(%dma_wait3A_87 : memref<1000064x16xf32, #tpu.memory_space<hbm>>) dst(%dma_wait3A_83 : memref<128x16xf32, #tpu.memory_space<vmem>>)
      %dma_wait3A_88 = arith.constant 128 : i32
      %dma_wait3A_89 = arith.constant 0 : i32
      %dma_wait3A_90 = tpu.memref_slice %arg6[%dma_wait3A_88, %dma_wait3A_89] : memref<1024x16xf32, #tpu.memory_space<vmem>> -> memref<128x16xf32, #tpu.memory_space<vmem>>
      %dma_wait3A_91 = tpu.memref_slice %arg5[%add3A_20] : memref<10240xi32, #tpu.memory_space<vmem>> -> memref<128xi32, #tpu.memory_space<vmem>>
      %dma_wait3A_92 = arith.constant 0 : i32
      %dma_wait3A_93 = arith.constant 0 : i32
      %dma_wait3A_94 = tpu.memref_slice %arg2[%dma_wait3A_92, %dma_wait3A_93] : memref<1000064x16xf32, #tpu.memory_space<hbm>> -> memref<1000064x16xf32, #tpu.memory_space<hbm>>
      tpu.wait_indirect_dma semaphore(%arg7 : memref<!tpu.dma_semaphore, #tpu.memory_space<semaphore_mem>>) src(%dma_wait3A_94 : memref<1000064x16xf32, #tpu.memory_space<hbm>>) dst(%dma_wait3A_90 : memref<128x16xf32, #tpu.memory_space<vmem>>)
      %dma_wait3A_95 = arith.constant 256 : i32
      %dma_wait3A_96 = arith.constant 0 : i32
      %dma_wait3A_97 = tpu.memref_slice %arg6[%dma_wait3A_95, %dma_wait3A_96] : memref<1024x16xf32, #tpu.memory_space<vmem>> -> memref<128x16xf32, #tpu.memory_space<vmem>>
      %dma_wait3A_98 = tpu.memref_slice %arg5[%add3A_29] : memref<10240xi32, #tpu.memory_space<vmem>> -> memref<128xi32, #tpu.memory_space<vmem>>
      %dma_wait3A_99 = arith.constant 0 : i32
      %dma_wait3A_100 = arith.constant 0 : i32
      %dma_wait3A_101 = tpu.memref_slice %arg2[%dma_wait3A_99, %dma_wait3A_100] : memref<1000064x16xf32, #tpu.memory_space<hbm>> -> memref<1000064x16xf32, #tpu.memory_space<hbm>>
      tpu.wait_indirect_dma semaphore(%arg7 : memref<!tpu.dma_semaphore, #tpu.memory_space<semaphore_mem>>) src(%dma_wait3A_101 : memref<1000064x16xf32, #tpu.memory_space<hbm>>) dst(%dma_wait3A_97 : memref<128x16xf32, #tpu.memory_space<vmem>>)
      %dma_wait3A_102 = arith.constant 384 : i32
      %dma_wait3A_103 = arith.constant 0 : i32
      %dma_wait3A_104 = tpu.memref_slice %arg6[%dma_wait3A_102, %dma_wait3A_103] : memref<1024x16xf32, #tpu.memory_space<vmem>> -> memref<128x16xf32, #tpu.memory_space<vmem>>
      %dma_wait3A_105 = tpu.memref_slice %arg5[%add3A_38] : memref<10240xi32, #tpu.memory_space<vmem>> -> memref<128xi32, #tpu.memory_space<vmem>>
      %dma_wait3A_106 = arith.constant 0 : i32
      %dma_wait3A_107 = arith.constant 0 : i32
      %dma_wait3A_108 = tpu.memref_slice %arg2[%dma_wait3A_106, %dma_wait3A_107] : memref<1000064x16xf32, #tpu.memory_space<hbm>> -> memref<1000064x16xf32, #tpu.memory_space<hbm>>
      tpu.wait_indirect_dma semaphore(%arg7 : memref<!tpu.dma_semaphore, #tpu.memory_space<semaphore_mem>>) src(%dma_wait3A_108 : memref<1000064x16xf32, #tpu.memory_space<hbm>>) dst(%dma_wait3A_104 : memref<128x16xf32, #tpu.memory_space<vmem>>)
      %dma_wait3A_109 = arith.constant 512 : i32
      %dma_wait3A_110 = arith.constant 0 : i32
      %dma_wait3A_111 = tpu.memref_slice %arg6[%dma_wait3A_109, %dma_wait3A_110] : memref<1024x16xf32, #tpu.memory_space<vmem>> -> memref<128x16xf32, #tpu.memory_space<vmem>>
      %dma_wait3A_112 = tpu.memref_slice %arg5[%add3A_47] : memref<10240xi32, #tpu.memory_space<vmem>> -> memref<128xi32, #tpu.memory_space<vmem>>
      %dma_wait3A_113 = arith.constant 0 : i32
      %dma_wait3A_114 = arith.constant 0 : i32
      %dma_wait3A_115 = tpu.memref_slice %arg2[%dma_wait3A_113, %dma_wait3A_114] : memref<1000064x16xf32, #tpu.memory_space<hbm>> -> memref<1000064x16xf32, #tpu.memory_space<hbm>>
      tpu.wait_indirect_dma semaphore(%arg7 : memref<!tpu.dma_semaphore, #tpu.memory_space<semaphore_mem>>) src(%dma_wait3A_115 : memref<1000064x16xf32, #tpu.memory_space<hbm>>) dst(%dma_wait3A_111 : memref<128x16xf32, #tpu.memory_space<vmem>>)
      %dma_wait3A_116 = arith.constant 640 : i32
      %dma_wait3A_117 = arith.constant 0 : i32
      %dma_wait3A_118 = tpu.memref_slice %arg6[%dma_wait3A_116, %dma_wait3A_117] : memref<1024x16xf32, #tpu.memory_space<vmem>> -> memref<128x16xf32, #tpu.memory_space<vmem>>
      %dma_wait3A_119 = tpu.memref_slice %arg5[%add3A_56] : memref<10240xi32, #tpu.memory_space<vmem>> -> memref<128xi32, #tpu.memory_space<vmem>>
      %dma_wait3A_120 = arith.constant 0 : i32
      %dma_wait3A_121 = arith.constant 0 : i32
      %dma_wait3A_122 = tpu.memref_slice %arg2[%dma_wait3A_120, %dma_wait3A_121] : memref<1000064x16xf32, #tpu.memory_space<hbm>> -> memref<1000064x16xf32, #tpu.memory_space<hbm>>
      tpu.wait_indirect_dma semaphore(%arg7 : memref<!tpu.dma_semaphore, #tpu.memory_space<semaphore_mem>>) src(%dma_wait3A_122 : memref<1000064x16xf32, #tpu.memory_space<hbm>>) dst(%dma_wait3A_118 : memref<128x16xf32, #tpu.memory_space<vmem>>)
      %dma_wait3A_123 = arith.constant 768 : i32
      %dma_wait3A_124 = arith.constant 0 : i32
      %dma_wait3A_125 = tpu.memref_slice %arg6[%dma_wait3A_123, %dma_wait3A_124] : memref<1024x16xf32, #tpu.memory_space<vmem>> -> memref<128x16xf32, #tpu.memory_space<vmem>>
      %dma_wait3A_126 = tpu.memref_slice %arg5[%add3A_65] : memref<10240xi32, #tpu.memory_space<vmem>> -> memref<128xi32, #tpu.memory_space<vmem>>
      %dma_wait3A_127 = arith.constant 0 : i32
      %dma_wait3A_128 = arith.constant 0 : i32
      %dma_wait3A_129 = tpu.memref_slice %arg2[%dma_wait3A_127, %dma_wait3A_128] : memref<1000064x16xf32, #tpu.memory_space<hbm>> -> memref<1000064x16xf32, #tpu.memory_space<hbm>>
      tpu.wait_indirect_dma semaphore(%arg7 : memref<!tpu.dma_semaphore, #tpu.memory_space<semaphore_mem>>) src(%dma_wait3A_129 : memref<1000064x16xf32, #tpu.memory_space<hbm>>) dst(%dma_wait3A_125 : memref<128x16xf32, #tpu.memory_space<vmem>>)
      %dma_wait3A_130 = arith.constant 896 : i32
      %dma_wait3A_131 = arith.constant 0 : i32
      %dma_wait3A_132 = tpu.memref_slice %arg6[%dma_wait3A_130, %dma_wait3A_131] : memref<1024x16xf32, #tpu.memory_space<vmem>> -> memref<128x16xf32, #tpu.memory_space<vmem>>
      %dma_wait3A_133 = tpu.memref_slice %arg5[%add3A_74] : memref<10240xi32, #tpu.memory_space<vmem>> -> memref<128xi32, #tpu.memory_space<vmem>>
      %dma_wait3A_134 = arith.constant 0 : i32
      %dma_wait3A_135 = arith.constant 0 : i32
      %dma_wait3A_136 = tpu.memref_slice %arg2[%dma_wait3A_134, %dma_wait3A_135] : memref<1000064x16xf32, #tpu.memory_space<hbm>> -> memref<1000064x16xf32, #tpu.memory_space<hbm>>
      tpu.wait_indirect_dma semaphore(%arg7 : memref<!tpu.dma_semaphore, #tpu.memory_space<semaphore_mem>>) src(%dma_wait3A_136 : memref<1000064x16xf32, #tpu.memory_space<hbm>>) dst(%dma_wait3A_132 : memref<128x16xf32, #tpu.memory_space<vmem>>)
      %add3A_137 = arith.addi %mul3A_2, %mul3A_10 : i32
      "tpu.region"() ({
        %run_scoped3A = tpu.sem_alloc : memref<!tpu.dma_semaphore, #tpu.memory_space<semaphore_mem>>
        %dma_start3A_138 = arith.constant 0 : i32
        %dma_start3A_139 = tpu.memref_slice %arg4[%add3A_137, %dma_start3A_138] : memref<327680x128xf32, #tpu.memory_space<hbm>> -> memref<1024x16xf32, #tpu.memory_space<hbm>>
        %dma_start3A_140 = arith.constant 0 : i32
        %dma_start3A_141 = tpu.memref_slice %arg4[%add3A_137, %dma_start3A_140] : memref<327680x128xf32, #tpu.memory_space<hbm>> -> memref<1024x16xf32, #tpu.memory_space<hbm>>
        tpu.enqueue_dma source(%arg6 : memref<1024x16xf32, #tpu.memory_space<vmem>>) target(%dma_start3A_141 : memref<1024x16xf32, #tpu.memory_space<hbm>>) target_semaphore(%run_scoped3A : memref<!tpu.dma_semaphore, #tpu.memory_space<semaphore_mem>>)
        %dma_wait3A_142 = arith.constant 0 : i32
        %dma_wait3A_143 = tpu.memref_slice %arg4[%add3A_137, %dma_wait3A_142] : memref<327680x128xf32, #tpu.memory_space<hbm>> -> memref<1024x16xf32, #tpu.memory_space<hbm>>
        %dma_wait3A_144 = arith.constant 0 : i32
        %dma_wait3A_145 = tpu.memref_slice %arg4[%add3A_137, %dma_wait3A_144] : memref<327680x128xf32, #tpu.memory_space<hbm>> -> memref<1024x16xf32, #tpu.memory_space<hbm>>
        tpu.wait_dma2 semaphore(%run_scoped3A : memref<!tpu.dma_semaphore, #tpu.memory_space<semaphore_mem>>) src(%arg6 : memref<1024x16xf32, #tpu.memory_space<vmem>>) dst(%dma_wait3A_145 : memref<1024x16xf32, #tpu.memory_space<hbm>>)
        tpu.yield
      }) : () -> ()
    }
    %scan3A_7 = arith.constant 10 : i32
    return
  }
}

module attributes {stable_mosaic.version = 14 : i64} {
  func.func @_combine_body(%arg0: i32, %arg1: i32, %arg2: memref<2048x128xf32, #tpu.memory_space<vmem>>, %arg3: memref<2048x128xf32, #tpu.memory_space<vmem>>, %arg4: memref<16x64xf32, #tpu.memory_space<vmem>>, %arg5: memref<1x64x2048xf32, #tpu.memory_space<vmem>>) attributes {dimension_semantics = [#tpu.dimension_semantics<arbitrary>, #tpu.dimension_semantics<arbitrary>], iteration_bounds = array<i64: 20, 8>, scalar_prefetch = 0 : i64, scratch_operands = 0 : i64, tpu.core_type = #tpu.core_type<tc>, window_params = [{transform_indices = @transform_0, window_bounds = array<i64: 2048, 128>}, {transform_indices = @transform_1, window_bounds = array<i64: 2048, 128>}, {pipeline_mode = #tpu.pipeline_mode<synchronous>, transform_indices = @transform_2, window_bounds = array<i64: 16, 64>}, {transform_indices = @transform_3, window_bounds = array<i64: 1, 64, 2048>}]} {
    %get3A = arith.constant 0 : index
    %get3A_0 = arith.constant 0 : index
    %get3A_1 = vector.load %arg3[%get3A, %get3A_0] : memref<2048x128xf32, #tpu.memory_space<vmem>>, vector<2048x64xf32>
    %get3A_2 = arith.constant 0 : index
    %get3A_3 = arith.constant 0 : index
    %get3A_4 = vector.load %arg2[%get3A_2, %get3A_3] : memref<2048x128xf32, #tpu.memory_space<vmem>>, vector<2048x16xf32>
    %get3A_5 = arith.constant 0 : index
    %get3A_6 = arith.constant 0 : index
    %get3A_7 = vector.load %arg4[%get3A_5, %get3A_6] : memref<16x64xf32, #tpu.memory_space<vmem>>, vector<16x64xf32>
    %dot_general3A = arith.constant dense<0.000000e+00> : vector<2048x64xf32>
    %dot_general3A_8 = tpu.matmul %get3A_4, %get3A_7, %dot_general3A {dimension_numbers = #tpu.dot_dimension_numbers<[1], [0], [0], [1], [0, 0, 1, 1], [], []>, transpose_lhs_hint = false} : vector<2048x16xf32>, vector<16x64xf32>, vector<2048x64xf32> -> vector<2048x64xf32>
    %add3A = arith.addf %get3A_1, %dot_general3A_8 : vector<2048x64xf32>
    %transpose3A = tpu.transpose %add3A, [1, 0] : vector<2048x64xf32> -> vector<64x2048xf32>
    %broadcast_in_dim3A = vector.shape_cast %transpose3A : vector<64x2048xf32> to vector<1x64x2048xf32>
    %swap3A = arith.constant 0 : index
    %swap3A_9 = arith.constant 0 : index
    %swap3A_10 = arith.constant 0 : index
    %swap3A_11 = vector.load %arg5[%swap3A, %swap3A_9, %swap3A_10] : memref<1x64x2048xf32, #tpu.memory_space<vmem>>, vector<1x64x2048xf32>
    tpu.vector_store %arg5[%swap3A, %swap3A_9, %swap3A_10], %broadcast_in_dim3A {strides = array<i32>} : memref<1x64x2048xf32, #tpu.memory_space<vmem>>, vector<1x64x2048xf32>,
    return
  }
  func.func @transform_0(%arg0: i32, %arg1: i32) -> (i32, i32) {
    %mul3A = arith.constant 8 : i32
    %mul3A_0 = arith.muli %arg0, %mul3A : i32
    %add3A = arith.addi %mul3A_0, %arg1 : i32
    %c0_i32 = arith.constant 0 : i32
    %c0_i32_1 = arith.constant 0 : i32
    return %add3A, %c0_i32 : i32, i32
  }
  func.func @transform_1(%arg0: i32, %arg1: i32) -> (i32, i32) {
    %mul3A = arith.constant 8 : i32
    %mul3A_0 = arith.muli %arg0, %mul3A : i32
    %add3A = arith.addi %mul3A_0, %arg1 : i32
    %c0_i32 = arith.constant 0 : i32
    %c0_i32_1 = arith.constant 0 : i32
    return %add3A, %c0_i32 : i32, i32
  }
  func.func @transform_2(%arg0: i32, %arg1: i32) -> (i32, i32) {
    %c0_i32 = arith.constant 0 : i32
    %c0_i32_0 = arith.constant 0 : i32
    %c0_i32_1 = arith.constant 0 : i32
    return %c0_i32, %c0_i32_0 : i32, i32
  }
  func.func @transform_3(%arg0: i32, %arg1: i32) -> (i32, i32, i32) {
    %c0_i32 = arith.constant 0 : i32
    %c0_i32_0 = arith.constant 0 : i32
    return %arg0, %c0_i32, %arg1 : i32, i32, i32
  }
}

</mosaic_0001>

<sc_bundles>
// kernel: kernel.12.cloned.1.call-start
scs
__scs_entry_jumppad:
0x0: {  	(pc) =	sbr.rel $0x88, $3  }
0x1: {  	(tag) =	ssettag $0x0;
	lr =	simm.s32 $0x1  }
0x2: {  	[smem:$0x3F9C] =	sst lr;
	_ =	strace $0xD0000000  }
0x3: {  	_ = 	snop  }
0x4: {  	_ = 	snop  }
0x5: {  	_ = 	snop  }
0x6: {  	_ = 	snop  }
0x7: {  	_ = 	snop  }
__scs_overlays_trampoline_lowered:
0x8: {  	[smem:$0x3FAB] =	sst s0  }
0x9: {  	[smem:$0x3FAC] =	sst s1  }
0xa: {  	[smem:$0x3FAD] =	sst s2  }
0xb: {  	[smem:$0x3FAE] =	sst s3  }
0xc: {  	[smem:$0x3FAF] =	sst s4  }
0xd: {  	[smem:$0x3FB0] =	sst s5  }
0xe: {  	[smem:$0x3FB1] =	sst s6  }
0xf: {  	[smem:$0x3FB2] =	sst s7  }
0x10: {  	[smem:$0x3FB3] =	sst s8  }
0x11: {  	[smem:$0x3FB4] =	sst s9;
	s0 =	simm.s32 @!p0 $0x0  }
0x12: {  	s1 =	sld [smem:$0x3F9A];
	s0 =	simm.s32 @p0 $0x1  }
0x13: {  	[smem:$0x3FB5] =	sst s0;
	s0 =	simm.s32 @!p1 $0x0  }
0x14: {  	s2 =	sld [smem:$0x3F99];
	s0 =	simm.s32 @p1 $0x1  }
0x15: {  	[smem:$0x3FB6] =	sst s0;
	s0 =	simm.s32 @!p2 $0x0  }
0x16: {  	s3 =	sld [smem:$0x3FDB];
	s0 =	simm.s32 @p2 $0x1  }
0x17: {  	s4 =	simm.s32 $0x1BF5;
	[smem:$0x3FB8] =	sst s0  }
0x18: {  	s0 =	sld [smem:$0x3F9B];
	_ =	swait.ge [sflag:s4], $0x0  }
0x19: {  	s7 =	sld [smem:$0x3F9C]  }
0x1a: {  	s8 =	sadd.s32 $0xFFFFE003, lr  }
0x1b: {  	s9 =	sadd.s32 $0xFFFFFEF7, lr;
	s5 =	simm.s32 $0xFFFFFFFF;
	p2 =	slt.u32 s8, $0xFFFFF086  }
0x1c: {  	p1 =	slt.u32 s9, $0xF7A;
	s5 =	simm.s32 @!p2 $0x0  }
0x1d: {  	s5 =	simm.s32 @p1 $0x1;
	p0 =	seq.s32 s7, s2  }
0x1e: {  	s7 =	smul.u32 @!p0 $0xF7A, s2;
	p2 =	seq.s32 @!p0 s5, $0x0  }
0x1f: {  	s9 =	smul.u32 $0xF7A, s1;
	s8 =	simm.s32 @!p0 $0x1BF5;
	p2 =	por !p2, p0  }
0x20: {  	[sflag:s8] =	ssyncset.s32 @!p0 $0xFFFFF086;
	s6 =	sadd.s32 @!p0 s3, s7;
	s7 =	simm.s32 @!p0 $0x108  }
0x21: {  	s3 =	sadd.s32 s3, s9;
	s6 =	sadd.s32 @!p0 $0x88, s6;
	s7 =	simm.s32 @p2 $0x1082  }
0x22: {  	[simem:s7], [sflag:s8] =	dma.local @!p0 [hbm:s6], $0xF7A  }
0x23: {  	s9 =	sor.u32 $0xD0000000, s2;
	s6 =	simm.s32 $0x108;
	_ =	swait.ge @!p0 [sflag:s8], $0x0  }
0x24: {  	s3 =	sadd.s32 $0x88, s3;
	s6 =	simm.s32 @!p1 $0x1082;
	[sflag:s4] =	ssyncset.s32 $0xFFFFF086  }
0x25: {  	[simem:s6], [sflag:s4] =	dma.local [hbm:s3], $0xF7A  }
0x26: {  	[smem:$0x3F9C] =	sst s1;
	(tag) =	ssettag s2;
	_ =	strace s9  }
0x27: {  	s1 =	sld [smem:$0x3FAC]  }
0x28: {  	s2 =	sld [smem:$0x3FAD]  }
0x29: {  	s4 =	sld [smem:$0x3FAF]  }
0x2a: {  	p0 =	seq.s32 s5, $0x0;
	s5 =	sld [smem:$0x3FB0]  }
0x2b: {  	s6 =	sld [smem:$0x3FB1]  }
0x2c: {  	s7 =	sld [smem:$0x3FB2]  }
0x2d: {  	s3 =	simm.s32 $0x108;
	s8 =	sld [smem:$0x3FB3]  }
0x2e: {  	s3 =	simm.s32 @!p0 $0x1082;
	s9 =	sld [smem:$0x3FB4]  }
0x2f: {  	lr =	sadd.s32 s0, s3;
	s0 =	sld [smem:$0x3FAB]  }
0x30: {  	s3 =	sld [smem:$0x3FAE]  }
0x31: {  	[smem:$0x3FB7] =	sst s10  }
0x32: {  	s10 =	sld [smem:$0x3FB5];
	_ =	sdelay $0x3  }
0x33: {  	p0 =	seq.s32 s10, $0x1;
	s10 =	sld [smem:$0x3FB7];
	_ =	sdelay $0x3  }
0x34: {  	[smem:$0x3FB7] =	sst s10  }
0x35: {  	s10 =	sld [smem:$0x3FB6];
	_ =	sdelay $0x3  }
0x36: {  	p1 =	seq.s32 s10, $0x1;
	s10 =	sld [smem:$0x3FB7];
	_ =	sdelay $0x3  }
0x37: {  	[smem:$0x3FB7] =	sst s10  }
0x38: {  	s10 =	sld [smem:$0x3FB8]  }
0x39: {  	_ = 	snop;
	(pc) =	sbr.ind lr, $3  }
0x3a: {  	_ = 	snop  }
0x3b: {  	_ = 	snop  }
0x3c: {  	p2 =	seq.s32 s10, $0x1;
	s10 =	sld [smem:$0x3FB7]  }
0x3d: {  	_ =	shalt  }
0x3e: {  	_ =	shalt  }
0x3f: {  	_ =	shalt  }
0x40: {  	_ =	shalt  }
0x41: {  	_ =	shalt  }
0x42: {  	_ =	shalt  }
0x43: {  	_ =	shalt  }
0x44: {  	_ =	shalt  }
0x45: {  	_ =	shalt  }
0x46: {  	_ =	shalt  }
0x47: {  	_ =	shalt  }
0x48: {  	_ =	shalt  }
0x49: {  	_ =	shalt  }
0x4a: {  	_ =	shalt  }
0x4b: {  	_ =	shalt  }
0x4c: {  	_ =	shalt  }
0x4d: {  	_ =	shalt  }
0x4e: {  	_ =	shalt  }
0x4f: {  	_ =	shalt  }
0x50: {  	_ =	shalt  }
0x51: {  	_ =	shalt  }
0x52: {  	_ =	shalt  }
0x53: {  	_ =	shalt  }
0x54: {  	_ =	shalt  }
0x55: {  	_ =	shalt  }
0x56: {  	_ =	shalt  }
0x57: {  	_ =	shalt  }
0x58: {  	_ =	shalt  }
0x59: {  	_ =	shalt  }
0x5a: {  	_ =	shalt  }
0x5b: {  	_ =	shalt  }
0x5c: {  	_ =	shalt  }
0x5d: {  	_ =	shalt  }
0x5e: {  	_ =	shalt  }
0x5f: {  	_ =	shalt  }
0x60: {  	_ =	shalt  }
0x61: {  	_ =	shalt  }
0x62: {  	_ =	shalt  }
0x63: {  	_ =	shalt  }
0x64: {  	_ =	shalt  }
0x65: {  	_ =	shalt  }
0x66: {  	_ =	shalt  }
0x67: {  	_ =	shalt  }
0x68: {  	_ =	shalt  }
0x69: {  	_ =	shalt  }
0x6a: {  	_ =	shalt  }
0x6b: {  	_ =	shalt  }
0x6c: {  	_ =	shalt  }
0x6d: {  	_ =	shalt  }
0x6e: {  	_ =	shalt  }
0x6f: {  	_ =	shalt  }
0x70: {  	_ =	shalt  }
0x71: {  	_ =	shalt  }
0x72: {  	_ =	shalt  }
0x73: {  	_ =	shalt  }
0x74: {  	_ =	shalt  }
0x75: {  	_ =	shalt  }
0x76: {  	_ =	shalt  }
0x77: {  	_ =	shalt  }
0x78: {  	_ =	shalt  }
0x79: {  	_ =	shalt  }
0x7a: {  	_ =	shalt  }
0x7b: {  	_ =	shalt  }
0x7c: {  	_ =	shalt  }
0x7d: {  	_ =	shalt  }
0x7e: {  	_ =	shalt  }
0x7f: {  	_ =	shalt  }
0x80: {  	_ =	shalt  }
0x81: {  	_ =	shalt  }
0x82: {  	_ =	shalt  }
0x83: {  	_ =	shalt  }
0x84: {  	_ =	shalt  }
0x85: {  	_ =	shalt  }
0x86: {  	_ =	shalt  }
0x87: {  	_ =	shalt  }
.Lfunc_end0:
.L_simem_size_0:
called_computation.2_lowered:
.L_overlay_start_0:
0x88: {  	s2 =	sld [smem:$0x3FD9]  }
0x89: {  	s3 =	sld [smem:$0x3FFE];
	_ =	sdelay $0x1  }
0x8a: {  	s1 =	srdreg.scid  }
0x8b: {  	s0 =	sand.u32 $0x1, s1  }
0x8c: {  	s17 =	sshll.u32 s0, $0xA;
	s2 =	sadd.s32 s3, s2  }
0x8d: {  	s2 =	sadd.s32 s2, s17  }
0x8e: {  	[smem:$0x3FC3] =	sst s2  }
0x8f: {  	_ = 	snop  }
0x90: {  	(tm) =	ssettm $0x1  }
0x91: {  	s18 =	sld [smem:$0x3FFB];
	_ =	sdelay $0x3  }
0x92: {  	_ =	strace s18  }
0x93: {  	s2 =	sld [smem:$0x3FFC];
	_ =	sdelay $0x3  }
0x94: {  	_ =	strace s2  }
0x95: {  	s2 =	sld [smem:$0x3FFD];
	_ =	sdelay $0x3  }
0x96: {  	_ =	strace s2  }
0x97: {  	_ =	strace $0x8FFFFFFF  }
0x98: {  	s19 =	sld [smem:$0x3FDB];
	_ =	sdelay $0x1  }
0x99: {  	s20 =	simm.s32 $_scs_section_size  }
0x9a: {  	s4 =	simm.s32 $_size__tile_overlayer_lowered;
	s5 =	simm.s32 $_tile_overlayer_lowered  }
0x9b: {  	s6 =	simm.s32 $0x1BFF;
	s21 =	sshll.u32 s5, $0x1;
	s3 =	sadd.s32 s20, s19  }
0x9c: {  	s22 =	simm.s32 $0x0;
	s4 =	sshll.u32 s4, $0x1;
	s5 =	sadd.s32 s21, s3  }
0x9d: {  	[timem:s22], [sflag:s6] =	dma.local [hbm:s5], s4  }
0x9e: {  	_ =	swait.ge [sflag:s6], s4  }
0x9f: {  	s4 =	ssub.s32 $0x0, s4;
	[sflag:s6] =	ssyncset.done $0x0  }
0xa0: {  	[sflag:s6] =	ssyncadd.s32 s4;
	_ =	sdelay $0x1  }
0xa1: {  	s23 =	simm.s32 $0x1B8B  }
0xa2: {  	_ =	swait.ge [sflag:s23], $0x1  }
0xa3: {  	[sflag:s23] =	ssyncset.done $0x0  }
0xa4: {  	[sflag:s23] =	ssyncadd.s32 $0xFFFFFFFF  }
0xa5: {  	s4 =	sld [smem:$0x0]  }
0xa6: {  	s5 =	sand.u32 $0xFFFFFFFE, s1  }
0xa7: {  	p0 =	sne.s32 s1, s5  }
0xa8: {  	s5 =	sshll.u32 @p0 s5, $0xE  }
0xa9: {  	s5 =	sadd.s32 @p0 $0x11B8D, s5;
	s6 =	sshll.u32 @p0 s4, $0x11  }
0xaa: {  	s5 =	sor.u32 @p0 s6, s5  }
0xab: {  	[sflag:s5] =	ssyncadd.remote.s32 @p0 $0x1;
	_ =	sdelay $0x1  }
0xac: {  	s5 =	simm.s32 @p0 $0x1B8D  }
0xad: {  	_ =	swait.eq @p0 [sflag:s5], $0x1  }
0xae: {  	[sflag:s5] =	ssyncadd.s32 @p0 $0xFFFFFFFF  }
0xaf: {  	s6 =	sshll.u32 @!p0 s1, $0xE  }
0xb0: {  	s6 =	sor.u32 @!p0 $0x4000, s6;
	s5 =	simm.s32 @!p0 $0x1B8D  }
0xb1: {  	s4 =	sshll.u32 @!p0 s4, $0x11;
	s6 =	sadd.s32 @!p0 $0x11B8D, s6;
	_ =	swait.eq @!p0 [sflag:s5], $0x1  }
0xb2: {  	s4 =	sor.u32 @!p0 s4, s6;
	[sflag:s5] =	ssyncadd.s32 @!p0 $0xFFFFFFFF  }
0xb3: {  	s25 =	simm.s32 $0x1B8E;
	s24 =	sld [smem:$0x3FFE];
	[sflag:s4] =	ssyncadd.remote.s32 @!p0 $0x1  }
0xb4: {  	s26 =	simm.s32 $execute0_lowered;
	[smem:$0x3FD2] =	sst s25  }
0xb5: {  	s5 =	sshll.u32 s26, $0x1;
	_ =	strace $0x8000004C;
	[dreg:$0x1] =	wrdreg $0xFFFFFFFF  }
0xb6: {  	s28 =	simm.s32 $_size_execute0_lowered;
	s3 =	sadd.s32 s3, s5;
	[dreg:$0x0] =	wrdreg $0x0  }
0xb7: {  	s5 =	sshll.u32 s28, $0x1;
	[dreg:$0x2] =	wrdreg s3  }
0xb8: {  	[dreg:$0x3] =	wrdreg s5  }
0xb9: {  	[dreg:$0x4] =	wrdreg $0xC0  }
0xba: {  	_ =	task [dreg:s22], $0x5FFFF  }
0xbb: {  	[dreg:$0x1] =	wrdreg $0xFFFFFFFF  }
0xbc: {  	[dreg:$0x0] =	wrdreg $0x60  }
0xbd: {  	[dreg:$0x2] =	wrdreg s24  }
0xbe: {  	[dreg:$0x3] =	wrdreg $0xA  }
0xbf: {  	_ =	task.clear_ibuf [dreg:s22], $0x4FFFF;
	_ =	strace $0x9000004C  }
0xc0: {  	s29 =	simm.s32 $0xA;
	_ =	strace $0x8000004E  }
0xc1: {  	_ =	swait.ge [sflag:s29], $0x1  }
0xc2: {  	[sflag:s29] =	ssyncadd.s32 $0xFFFFFFFF  }
0xc3: {  	_ =	strace $0x9000004E  }
0xc4: {  	_ =	sfence  }
0xc5: {  	s30 =	sld [smem:$0x0];
	_ =	sdelay $0x2  }
0xc6: {  	s31 =	sshll.u32 s1, $0xD;
	s1 =	sshrl.u32 s1, $0x2  }
0xc7: {  	s4 =	sand.u32 $0x4000, s31;
	s1 =	sadd.s32 s1, s30  }
0xc8: {  	s0 =	sor.u32 s4, s0;
	s1 =	sshll.u32 s1, $0x11  }
0xc9: {  	s0 =	sor.u32 s1, s0  }
0xca: {  	s0 =	sadd.s32 $0x8F2B, s0  }
0xcb: {  	[sflag:s0] =	ssyncadd.remote.s32 $0x1  }
0xcc: {  	_ =	sfence.sel $0xFFFF  }
0xcd: {  	[dreg:$0x0] =	wrdreg $0xFFFFFFFF;
	(pc) =	sbr.abs _section_cstart, $3  }
0xce: {  	[dreg:$0x1] =	wrdreg $0xFFFFFFFF  }
0xcf: {  	_ =	task.clear_ibuf [dreg:s22], $0x2FFFF;
	_ =	strace $0x9FFFFFFF  }
0xd0: {  	(tm) =	ssettm $0x7FFFFFFF  }
0xd1: {  	_ =	shalt  }
tec
execute0_lowered:
.L_overlay_start_1:
0x0: {  	(tag) =	ssettag $0x1  }
0x1: {  	s1 =	srdreg.scid  }
0x2: {  	s0 =	stileid.u32;
	s4 =	rddreg [dreg:$0x0];
	s2 =	simm.s32 $0x0  }
0x3: {  	s9 =	simm.s32 $0x2800;
	s10 =	simm.s32 $0x3000;
	s11 =	simm.s32 $0x3800  }
0x4: {  	s12 =	simm.s32 $0x4000;
	s13 =	simm.s32 $0x4800;
	s14 =	simm.s32 $0x5000  }
0x5: {  	s15 =	simm.s32 $0x5800;
	s16 =	simm.s32 $0x6000;
	s17 =	simm.s32 $0x1  }
0x6: {  	s18 =	simm.s32 $0x10;
	s19 =	simm.s32 $0x0;
	s5 =	sand.u32 $0x1, s1  }
0x7: {  	s3 =	sshll.u32 s0, $0x1;
	[smem:$0x7FF] =	sst s2;
	s7 =	smul.u32 $0x50000, s0  }
0x8: {  	s3 =	sor.u32 s5, s3;
	s8 =	ssub.s32 $0x2, s5;
	s5 =	smul.u32 $0x28000, s5  }
0x9: {  	s1 =	rddreg [dreg:$0x1];
	_ =	strace $0x8000004D;
	s6 =	smul.u32 $0x2800, s3  }
0xa: {  	s3 =	sadd.s32 $0x1200, s4;
	s7 =	sadd.s32 s7, s4;
	s30 =	sshrl.u32 s8, $0x1  }
0xb: {  	s8 =	ssub.s32 s8, s30;
	s31 =	sadd.s32 s5, s7;
	s6 =	sshrl.u32 s6, $0x3  }
0xc: {  	s7 =	simm.s32 $0x2;
	s5 =	smax.u32 s8, $0x1;
	s6 =	sadd.s32 s6, s4  }
0xd: {  	s8 =	simm.s32 $0x80;
	s4 =	sadd.s32 $0x1E9800, s6;
	s6 =	sadd.s32 $0x6F3800, s31  }
.LBB2_1:
0xe: {  	[tilespmem:s2], [sflag:$0x2] =	stream.linear.gather [hbm4b:s4+s2], $0x2800, $0x38;
	[tilespmem:$0x6800] =	vst v63  }
0xf: {  	_ =	swait.ge [sflag:s7], $0x2800  }
0x10: {  	[sflag:s7] =	ssyncset.done $0x0  }
0x11: {  	s20 =	simm.s32 $0x0;
	[sflag:s7] =	ssyncadd.s32 $0xFFFFD800  }
0x12: {  	[tilespmem:s9], [sflag:$0x1] =	stream.indirect.gather [hbm4b:s3+s8], $0x10, s20, s8, $0xb8;
	[tilespmem:$0x6800] =	vst v63  }
0x13: {  	s24 =	simm.s32 $0x80  }
0x14: {  	[tilespmem:s10], [sflag:$0x1] =	stream.indirect.gather [hbm4b:s3+s8], $0x10, s24, s8, $0xb8;
	[tilespmem:$0x6800] =	vst v63  }
0x15: {  	s25 =	simm.s32 $0x100  }
0x16: {  	[tilespmem:s11], [sflag:$0x1] =	stream.indirect.gather [hbm4b:s3+s8], $0x10, s25, s8, $0xb8;
	[tilespmem:$0x6800] =	vst v63  }
0x17: {  	s26 =	simm.s32 $0x180  }
0x18: {  	[tilespmem:s12], [sflag:$0x1] =	stream.indirect.gather [hbm4b:s3+s8], $0x10, s26, s8, $0xb8;
	[tilespmem:$0x6800] =	vst v63  }
0x19: {  	s28 =	simm.s32 $0x200  }
0x1a: {  	[tilespmem:s13], [sflag:$0x1] =	stream.indirect.gather [hbm4b:s3+s8], $0x10, s28, s8, $0xb8;
	[tilespmem:$0x6800] =	vst v63  }
0x1b: {  	s29 =	simm.s32 $0x280  }
0x1c: {  	[tilespmem:s14], [sflag:$0x1] =	stream.indirect.gather [hbm4b:s3+s8], $0x10, s29, s8, $0xb8;
	[tilespmem:$0x6800] =	vst v63  }
0x1d: {  	s30 =	simm.s32 $0x300  }
0x1e: {  	[tilespmem:s15], [sflag:$0x1] =	stream.indirect.gather [hbm4b:s3+s8], $0x10, s30, s8, $0xb8;
	[tilespmem:$0x6800] =	vst v63  }
0x1f: {  	s31 =	simm.s32 $0x380  }
0x20: {  	[tilespmem:s16], [sflag:$0x1] =	stream.indirect.gather [hbm4b:s3+s8], $0x10, s31, s8, $0xb8;
	[tilespmem:$0x6800] =	vst v63  }
0x21: {  	_ =	swait.ge [sflag:s17], $0x800  }
0x22: {  	[sflag:s17] =	ssyncset.done $0x0  }
0x23: {  	[sflag:s17] =	ssyncadd.s32 $0xFFFFF800  }
0x24: {  	_ =	swait.ge [sflag:s17], $0x800  }
0x25: {  	[sflag:s17] =	ssyncset.done $0x0  }
0x26: {  	[sflag:s17] =	ssyncadd.s32 $0xFFFFF800  }
0x27: {  	_ =	swait.ge [sflag:s17], $0x800  }
0x28: {  	[sflag:s17] =	ssyncset.done $0x0  }
0x29: {  	[sflag:s17] =	ssyncadd.s32 $0xFFFFF800  }
0x2a: {  	_ =	swait.ge [sflag:s17], $0x800  }
0x2b: {  	[sflag:s17] =	ssyncset.done $0x0  }
0x2c: {  	[sflag:s17] =	ssyncadd.s32 $0xFFFFF800  }
0x2d: {  	_ =	swait.ge [sflag:s17], $0x800  }
0x2e: {  	[sflag:s17] =	ssyncset.done $0x0  }
0x2f: {  	[sflag:s17] =	ssyncadd.s32 $0xFFFFF800  }
0x30: {  	_ =	swait.ge [sflag:s17], $0x800  }
0x31: {  	[sflag:s17] =	ssyncset.done $0x0  }
0x32: {  	[sflag:s17] =	ssyncadd.s32 $0xFFFFF800  }
0x33: {  	_ =	swait.ge [sflag:s17], $0x800  }
0x34: {  	[sflag:s17] =	ssyncset.done $0x0  }
0x35: {  	[sflag:s17] =	ssyncadd.s32 $0xFFFFF800  }
0x36: {  	_ =	swait.ge [sflag:s17], $0x800  }
0x37: {  	[sflag:s17] =	ssyncset.done $0x0  }
0x38: {  	[sflag:s17] =	ssyncadd.s32 $0xFFFFF800  }
0x39: {  	[hbm4b:s6+s18] =	stream.strided.scatter [tilespmem:s9], [sflag:$0x2], $0x4000, s8, s18, $0x38;
	[tilespmem:$0x6800] =	vst v63  }
0x3a: {  	s21 =	simm.s32 $0x1000;
	_ =	swait.ge [sflag:s7], $0x4000  }
0x3b: {  	s23 =	simm.s32 $0x2000;
	s20 =	sadd.s32 $0x4000, s6;
	[sflag:s7] =	ssyncset.done $0x0  }
.LBB2_2:
0x3c: {  	s24 =	sshra.s32 s21, $0x2  }
0x3d: {  	[sflag:s7] =	ssyncadd.s32 $0xFFFFC000;
	s21 =	smov.u32 s23;
	s22 =	sadd.s32 $0x1000, s23  }
0x3e: {  	[tilespmem:s9], [sflag:$0x1] =	stream.indirect.gather [hbm4b:s3+s8], $0x10, s24, s8, $0xb8;
	[tilespmem:$0x6800] =	vst v63  }
0x3f: {  	p0 =	sne.s32 s23, $0x9000;
	s23 =	sadd.s32 $0x80, s24  }
0x40: {  	[tilespmem:s10], [sflag:$0x1] =	stream.indirect.gather [hbm4b:s3+s8], $0x10, s23, s8, $0xb8;
	[tilespmem:$0x6800] =	vst v63  }
0x41: {  	s23 =	sadd.s32 $0x100, s24  }
0x42: {  	[tilespmem:s11], [sflag:$0x1] =	stream.indirect.gather [hbm4b:s3+s8], $0x10, s23, s8, $0xb8;
	[tilespmem:$0x6800] =	vst v63  }
0x43: {  	s23 =	sadd.s32 $0x180, s24  }
0x44: {  	[tilespmem:s12], [sflag:$0x1] =	stream.indirect.gather [hbm4b:s3+s8], $0x10, s23, s8, $0xb8;
	[tilespmem:$0x6800] =	vst v63  }
0x45: {  	s23 =	sadd.s32 $0x200, s24  }
0x46: {  	[tilespmem:s13], [sflag:$0x1] =	stream.indirect.gather [hbm4b:s3+s8], $0x10, s23, s8, $0xb8;
	[tilespmem:$0x6800] =	vst v63  }
0x47: {  	s23 =	sadd.s32 $0x280, s24  }
0x48: {  	[tilespmem:s14], [sflag:$0x1] =	stream.indirect.gather [hbm4b:s3+s8], $0x10, s23, s8, $0xb8;
	[tilespmem:$0x6800] =	vst v63  }
0x49: {  	s23 =	sadd.s32 $0x300, s24  }
0x4a: {  	[tilespmem:s15], [sflag:$0x1] =	stream.indirect.gather [hbm4b:s3+s8], $0x10, s23, s8, $0xb8;
	[tilespmem:$0x6800] =	vst v63  }
0x4b: {  	s23 =	sadd.s32 $0x380, s24  }
0x4c: {  	[tilespmem:s16], [sflag:$0x1] =	stream.indirect.gather [hbm4b:s3+s8], $0x10, s23, s8, $0xb8;
	[tilespmem:$0x6800] =	vst v63  }
0x4d: {  	_ =	swait.ge [sflag:s17], $0x800  }
0x4e: {  	[sflag:s17] =	ssyncset.done $0x0  }
0x4f: {  	[sflag:s17] =	ssyncadd.s32 $0xFFFFF800  }
0x50: {  	_ =	swait.ge [sflag:s17], $0x800  }
0x51: {  	[sflag:s17] =	ssyncset.done $0x0  }
0x52: {  	[sflag:s17] =	ssyncadd.s32 $0xFFFFF800  }
0x53: {  	_ =	swait.ge [sflag:s17], $0x800  }
0x54: {  	[sflag:s17] =	ssyncset.done $0x0  }
0x55: {  	[sflag:s17] =	ssyncadd.s32 $0xFFFFF800  }
0x56: {  	_ =	swait.ge [sflag:s17], $0x800  }
0x57: {  	[sflag:s17] =	ssyncset.done $0x0  }
0x58: {  	[sflag:s17] =	ssyncadd.s32 $0xFFFFF800  }
0x59: {  	_ =	swait.ge [sflag:s17], $0x800  }
0x5a: {  	[sflag:s17] =	ssyncset.done $0x0  }
0x5b: {  	[sflag:s17] =	ssyncadd.s32 $0xFFFFF800  }
0x5c: {  	_ =	swait.ge [sflag:s17], $0x800  }
0x5d: {  	[sflag:s17] =	ssyncset.done $0x0  }
0x5e: {  	[sflag:s17] =	ssyncadd.s32 $0xFFFFF800  }
0x5f: {  	_ =	swait.ge [sflag:s17], $0x800  }
0x60: {  	[sflag:s17] =	ssyncset.done $0x0  }
0x61: {  	[sflag:s17] =	ssyncadd.s32 $0xFFFFF800  }
0x62: {  	_ =	swait.ge [sflag:s17], $0x800  }
.Ltmp0:
0x63: {  	[sflag:s17] =	ssyncset.done $0x0;
	(pc) =	sbr.rel @p0 .LBB2_2-.Ltmp0, $4  }
0x64: {  	[sflag:s17] =	ssyncadd.s32 $0xFFFFF800  }
0x65: {  	[hbm4b:s20+s18] =	stream.strided.scatter [tilespmem:s9], [sflag:$0x2], $0x4000, s8, s18, $0x38;
	[tilespmem:$0x6800] =	vst v63  }
0x66: {  	_ =	swait.ge [sflag:s7], $0x4000  }
0x67: {  	s23 =	smov.u32 s22;
	s20 =	sadd.s32 $0x4000, s20;
	[sflag:s7] =	ssyncset.done $0x0  }
0x68: {  	s21 =	sshra.s32 s21, $0x2;
	[sflag:s7] =	ssyncadd.s32 $0xFFFFC000  }
0x69: {  	[tilespmem:s9], [sflag:$0x1] =	stream.indirect.gather [hbm4b:s3+s8], $0x10, s21, s8, $0xb8;
	[tilespmem:$0x6800] =	vst v63  }
0x6a: {  	s22 =	sadd.s32 $0x80, s21  }
0x6b: {  	[tilespmem:s10], [sflag:$0x1] =	stream.indirect.gather [hbm4b:s3+s8], $0x10, s22, s8, $0xb8;
	[tilespmem:$0x6800] =	vst v63  }
0x6c: {  	s26 =	sadd.s32 $0x100, s21  }
0x6d: {  	[tilespmem:s11], [sflag:$0x1] =	stream.indirect.gather [hbm4b:s3+s8], $0x10, s26, s8, $0xb8;
	[tilespmem:$0x6800] =	vst v63  }
0x6e: {  	s28 =	sadd.s32 $0x180, s21  }
0x6f: {  	[tilespmem:s12], [sflag:$0x1] =	stream.indirect.gather [hbm4b:s3+s8], $0x10, s28, s8, $0xb8;
	[tilespmem:$0x6800] =	vst v63  }
0x70: {  	s29 =	sadd.s32 $0x200, s21  }
0x71: {  	[tilespmem:s13], [sflag:$0x1] =	stream.indirect.gather [hbm4b:s3+s8], $0x10, s29, s8, $0xb8;
	[tilespmem:$0x6800] =	vst v63  }
0x72: {  	s30 =	sadd.s32 $0x280, s21  }
0x73: {  	[tilespmem:s14], [sflag:$0x1] =	stream.indirect.gather [hbm4b:s3+s8], $0x10, s30, s8, $0xb8;
	[tilespmem:$0x6800] =	vst v63  }
0x74: {  	s31 =	sadd.s32 $0x300, s21  }
0x75: {  	[tilespmem:s15], [sflag:$0x1] =	stream.indirect.gather [hbm4b:s3+s8], $0x10, s31, s8, $0xb8;
	[tilespmem:$0x6800] =	vst v63  }
0x76: {  	s21 =	sadd.s32 $0x380, s21  }
0x77: {  	[tilespmem:s16], [sflag:$0x1] =	stream.indirect.gather [hbm4b:s3+s8], $0x10, s21, s8, $0xb8;
	[tilespmem:$0x6800] =	vst v63  }
0x78: {  	_ =	swait.ge [sflag:s17], $0x800  }
0x79: {  	[sflag:s17] =	ssyncset.done $0x0  }
0x7a: {  	[sflag:s17] =	ssyncadd.s32 $0xFFFFF800  }
0x7b: {  	_ =	swait.ge [sflag:s17], $0x800  }
0x7c: {  	[sflag:s17] =	ssyncset.done $0x0  }
0x7d: {  	[sflag:s17] =	ssyncadd.s32 $0xFFFFF800  }
0x7e: {  	_ =	swait.ge [sflag:s17], $0x800  }
0x7f: {  	[sflag:s17] =	ssyncset.done $0x0  }
0x80: {  	[sflag:s17] =	ssyncadd.s32 $0xFFFFF800  }
0x81: {  	_ =	swait.ge [sflag:s17], $0x800  }
0x82: {  	[sflag:s17] =	ssyncset.done $0x0  }
0x83: {  	[sflag:s17] =	ssyncadd.s32 $0xFFFFF800  }
0x84: {  	_ =	swait.ge [sflag:s17], $0x800  }
0x85: {  	[sflag:s17] =	ssyncset.done $0x0  }
0x86: {  	[sflag:s17] =	ssyncadd.s32 $0xFFFFF800  }
0x87: {  	_ =	swait.ge [sflag:s17], $0x800  }
0x88: {  	[sflag:s17] =	ssyncset.done $0x0  }
0x89: {  	[sflag:s17] =	ssyncadd.s32 $0xFFFFF800  }
0x8a: {  	_ =	swait.ge [sflag:s17], $0x800  }
0x8b: {  	[sflag:s17] =	ssyncset.done $0x0  }
0x8c: {  	[sflag:s17] =	ssyncadd.s32 $0xFFFFF800  }
0x8d: {  	s19 =	sadd.s32 $0x1, s19;
	_ =	swait.ge [sflag:s17], $0x800  }
0x8e: {  	p0 =	sne.s32 s19, s5;
	[sflag:s17] =	ssyncset.done $0x0  }
.Ltmp1:
0x8f: {  	[sflag:s17] =	ssyncadd.s32 $0xFFFFF800;
	(pc) =	sbr.rel @p0 .LBB2_1-.Ltmp1, $4  }
0x90: {  	[hbm4b:s20+s18] =	stream.strided.scatter [tilespmem:s9], [sflag:$0x2], $0x4000, s8, s18, $0x38;
	[tilespmem:$0x6800] =	vst v63  }
0x91: {  	_ =	swait.ge [sflag:s7], $0x4000  }
0x92: {  	[sflag:s7] =	ssyncset.done $0x0  }
0x93: {  	[sflag:s7] =	ssyncadd.s32 $0xFFFFC000  }
0x94: {  	_ =	sfence.sel $0x180000  }
0x95: {  	[bflag:$0x0] =	sbarrier.arrive $0xFFFF  }
0x96: {  	p0 =	sne.s32 s0, $0x0;
	_ =	strace $0x9000004D  }
0x97: {  	s0 =	sadd.s32 @!p0 $0x100000, s1;
	[bflag:$0x2] =	sbarrier.arrive $0xFFFF  }
0x98: {  	[sflag:s0] =	ssyncadd.tile.s32 @!p0 $0x1;
	_ =	shalt  }
.Lfunc_end2:
_tile_overlayer_lowered:
.L_overlay_start_2:
0x99: {  	(tag) =	ssettag $0x2  }
0x9a: {  	s0 =	rddreg [dreg:$0x0];
	s2 =	stileid.u32  }
0x9b: {  	s1 =	rddreg [dreg:$0x1];
	p0 =	sne.s32 s2, $0x0  }
0x9c: {  	s3 =	rddreg [dreg:$0x2];
	[bflag:$0x3] =	sbarrier.arrive $0xFFFF;
	s2 =	simm.s32 @!p0 $0x1C02  }
0x9d: {  	[timem:s3], [sflag:s2] =	dma.local @!p0 [hbm:s0], s1  }
0x9e: {  	s0 =	simm.s32 @!p0 $0x2  }
0x9f: {  	_ =	swait.ge @!p0 [sflag:s0], s1  }
0xa0: {  	s1 =	ssub.s32 @!p0 $0x0, s1;
	[sflag:s0] =	ssyncset.done @!p0 $0x0  }
0xa1: {  	[sflag:s0] =	ssyncadd.s32 @!p0 s1  }
0xa2: {  	[bflag:$0x3] =	sbarrier.arrive $0xFFFF  }
0xa3: {  	_ =	shalt  }

// kernel: kernel.6.cloned.1.call-start
scs
__scs_entry_jumppad:
0x0: {  	(pc) =	sbr.rel $0x88, $3  }
0x1: {  	(tag) =	ssettag $0x0;
	lr =	simm.s32 $0x1  }
0x2: {  	[smem:$0x3F9C] =	sst lr;
	_ =	strace $0xD0000000  }
0x3: {  	_ = 	snop  }
0x4: {  	_ = 	snop  }
0x5: {  	_ = 	snop  }
0x6: {  	_ = 	snop  }
0x7: {  	_ = 	snop  }
__scs_overlays_trampoline_lowered:
0x8: {  	[smem:$0x3FAB] =	sst s0  }
0x9: {  	[smem:$0x3FAC] =	sst s1  }
0xa: {  	[smem:$0x3FAD] =	sst s2  }
0xb: {  	[smem:$0x3FAE] =	sst s3  }
0xc: {  	[smem:$0x3FAF] =	sst s4  }
0xd: {  	[smem:$0x3FB0] =	sst s5  }
0xe: {  	[smem:$0x3FB1] =	sst s6  }
0xf: {  	[smem:$0x3FB2] =	sst s7  }
0x10: {  	[smem:$0x3FB3] =	sst s8  }
0x11: {  	[smem:$0x3FB4] =	sst s9;
	s0 =	simm.s32 @!p0 $0x0  }
0x12: {  	s1 =	sld [smem:$0x3F9A];
	s0 =	simm.s32 @p0 $0x1  }
0x13: {  	[smem:$0x3FB5] =	sst s0;
	s0 =	simm.s32 @!p1 $0x0  }
0x14: {  	s2 =	sld [smem:$0x3F99];
	s0 =	simm.s32 @p1 $0x1  }
0x15: {  	[smem:$0x3FB6] =	sst s0;
	s0 =	simm.s32 @!p2 $0x0  }
0x16: {  	s3 =	sld [smem:$0x3FDB];
	s0 =	simm.s32 @p2 $0x1  }
0x17: {  	s4 =	simm.s32 $0x1BF5;
	[smem:$0x3FB8] =	sst s0  }
0x18: {  	s0 =	sld [smem:$0x3F9B];
	_ =	swait.ge [sflag:s4], $0x0  }
0x19: {  	s7 =	sld [smem:$0x3F9C]  }
0x1a: {  	s8 =	sadd.s32 $0xFFFFE003, lr  }
0x1b: {  	s9 =	sadd.s32 $0xFFFFFEF7, lr;
	s5 =	simm.s32 $0xFFFFFFFF;
	p2 =	slt.u32 s8, $0xFFFFF086  }
0x1c: {  	p1 =	slt.u32 s9, $0xF7A;
	s5 =	simm.s32 @!p2 $0x0  }
0x1d: {  	s5 =	simm.s32 @p1 $0x1;
	p0 =	seq.s32 s7, s2  }
0x1e: {  	s7 =	smul.u32 @!p0 $0xF7A, s2;
	p2 =	seq.s32 @!p0 s5, $0x0  }
0x1f: {  	s9 =	smul.u32 $0xF7A, s1;
	s8 =	simm.s32 @!p0 $0x1BF5;
	p2 =	por !p2, p0  }
0x20: {  	[sflag:s8] =	ssyncset.s32 @!p0 $0xFFFFF086;
	s6 =	sadd.s32 @!p0 s3, s7;
	s7 =	simm.s32 @!p0 $0x108  }
0x21: {  	s3 =	sadd.s32 s3, s9;
	s6 =	sadd.s32 @!p0 $0x88, s6;
	s7 =	simm.s32 @p2 $0x1082  }
0x22: {  	[simem:s7], [sflag:s8] =	dma.local @!p0 [hbm:s6], $0xF7A  }
0x23: {  	s9 =	sor.u32 $0xD0000000, s2;
	s6 =	simm.s32 $0x108;
	_ =	swait.ge @!p0 [sflag:s8], $0x0  }
0x24: {  	s3 =	sadd.s32 $0x88, s3;
	s6 =	simm.s32 @!p1 $0x1082;
	[sflag:s4] =	ssyncset.s32 $0xFFFFF086  }
0x25: {  	[simem:s6], [sflag:s4] =	dma.local [hbm:s3], $0xF7A  }
0x26: {  	[smem:$0x3F9C] =	sst s1;
	(tag) =	ssettag s2;
	_ =	strace s9  }
0x27: {  	s1 =	sld [smem:$0x3FAC]  }
0x28: {  	s2 =	sld [smem:$0x3FAD]  }
0x29: {  	s4 =	sld [smem:$0x3FAF]  }
0x2a: {  	p0 =	seq.s32 s5, $0x0;
	s5 =	sld [smem:$0x3FB0]  }
0x2b: {  	s6 =	sld [smem:$0x3FB1]  }
0x2c: {  	s7 =	sld [smem:$0x3FB2]  }
0x2d: {  	s3 =	simm.s32 $0x108;
	s8 =	sld [smem:$0x3FB3]  }
0x2e: {  	s3 =	simm.s32 @!p0 $0x1082;
	s9 =	sld [smem:$0x3FB4]  }
0x2f: {  	lr =	sadd.s32 s0, s3;
	s0 =	sld [smem:$0x3FAB]  }
0x30: {  	s3 =	sld [smem:$0x3FAE]  }
0x31: {  	[smem:$0x3FB7] =	sst s10  }
0x32: {  	s10 =	sld [smem:$0x3FB5];
	_ =	sdelay $0x3  }
0x33: {  	p0 =	seq.s32 s10, $0x1;
	s10 =	sld [smem:$0x3FB7];
	_ =	sdelay $0x3  }
0x34: {  	[smem:$0x3FB7] =	sst s10  }
0x35: {  	s10 =	sld [smem:$0x3FB6];
	_ =	sdelay $0x3  }
0x36: {  	p1 =	seq.s32 s10, $0x1;
	s10 =	sld [smem:$0x3FB7];
	_ =	sdelay $0x3  }
0x37: {  	[smem:$0x3FB7] =	sst s10  }
0x38: {  	s10 =	sld [smem:$0x3FB8]  }
0x39: {  	_ = 	snop;
	(pc) =	sbr.ind lr, $3  }
0x3a: {  	_ = 	snop  }
0x3b: {  	_ = 	snop  }
0x3c: {  	p2 =	seq.s32 s10, $0x1;
	s10 =	sld [smem:$0x3FB7]  }
0x3d: {  	_ =	shalt  }
0x3e: {  	_ =	shalt  }
0x3f: {  	_ =	shalt  }
0x40: {  	_ =	shalt  }
0x41: {  	_ =	shalt  }
0x42: {  	_ =	shalt  }
0x43: {  	_ =	shalt  }
0x44: {  	_ =	shalt  }
0x45: {  	_ =	shalt  }
0x46: {  	_ =	shalt  }
0x47: {  	_ =	shalt  }
0x48: {  	_ =	shalt  }
0x49: {  	_ =	shalt  }
0x4a: {  	_ =	shalt  }
0x4b: {  	_ =	shalt  }
0x4c: {  	_ =	shalt  }
0x4d: {  	_ =	shalt  }
0x4e: {  	_ =	shalt  }
0x4f: {  	_ =	shalt  }
0x50: {  	_ =	shalt  }
0x51: {  	_ =	shalt  }
0x52: {  	_ =	shalt  }
0x53: {  	_ =	shalt  }
0x54: {  	_ =	shalt  }
0x55: {  	_ =	shalt  }
0x56: {  	_ =	shalt  }
0x57: {  	_ =	shalt  }
0x58: {  	_ =	shalt  }
0x59: {  	_ =	shalt  }
0x5a: {  	_ =	shalt  }
0x5b: {  	_ =	shalt  }
0x5c: {  	_ =	shalt  }
0x5d: {  	_ =	shalt  }
0x5e: {  	_ =	shalt  }
0x5f: {  	_ =	shalt  }
0x60: {  	_ =	shalt  }
0x61: {  	_ =	shalt  }
0x62: {  	_ =	shalt  }
0x63: {  	_ =	shalt  }
0x64: {  	_ =	shalt  }
0x65: {  	_ =	shalt  }
0x66: {  	_ =	shalt  }
0x67: {  	_ =	shalt  }
0x68: {  	_ =	shalt  }
0x69: {  	_ =	shalt  }
0x6a: {  	_ =	shalt  }
0x6b: {  	_ =	shalt  }
0x6c: {  	_ =	shalt  }
0x6d: {  	_ =	shalt  }
0x6e: {  	_ =	shalt  }
0x6f: {  	_ =	shalt  }
0x70: {  	_ =	shalt  }
0x71: {  	_ =	shalt  }
0x72: {  	_ =	shalt  }
0x73: {  	_ =	shalt  }
0x74: {  	_ =	shalt  }
0x75: {  	_ =	shalt  }
0x76: {  	_ =	shalt  }
0x77: {  	_ =	shalt  }
0x78: {  	_ =	shalt  }
0x79: {  	_ =	shalt  }
0x7a: {  	_ =	shalt  }
0x7b: {  	_ =	shalt  }
0x7c: {  	_ =	shalt  }
0x7d: {  	_ =	shalt  }
0x7e: {  	_ =	shalt  }
0x7f: {  	_ =	shalt  }
0x80: {  	_ =	shalt  }
0x81: {  	_ =	shalt  }
0x82: {  	_ =	shalt  }
0x83: {  	_ =	shalt  }
0x84: {  	_ =	shalt  }
0x85: {  	_ =	shalt  }
0x86: {  	_ =	shalt  }
0x87: {  	_ =	shalt  }
.Lfunc_end0:
.L_simem_size_0:
called_computation_lowered:
.L_overlay_start_0:
0x88: {  	s2 =	sld [smem:$0x3FD9]  }
0x89: {  	s3 =	sld [smem:$0x3FFE];
	_ =	sdelay $0x1  }
0x8a: {  	s1 =	srdreg.scid  }
0x8b: {  	s0 =	sand.u32 $0x1, s1  }
0x8c: {  	s17 =	sshll.u32 s0, $0xA;
	s2 =	sadd.s32 s3, s2  }
0x8d: {  	s2 =	sadd.s32 s2, s17  }
0x8e: {  	[smem:$0x3FC3] =	sst s2  }
0x8f: {  	_ = 	snop  }
0x90: {  	s2 =	sld [smem:$0x3FD0];
	(tm) =	ssettm $0x1  }
0x91: {  	s18 =	sld [smem:$0x3FFB];
	_ =	sdelay $0x3  }
0x92: {  	_ =	strace s18  }
0x93: {  	s3 =	sld [smem:$0x3FFC];
	_ =	sdelay $0x3  }
0x94: {  	_ =	strace s3  }
0x95: {  	s3 =	sld [smem:$0x3FFD];
	_ =	sdelay $0x3  }
0x96: {  	_ =	strace s3  }
0x97: {  	_ =	strace $0x8FFFFFFF  }
0x98: {  	s19 =	sld [smem:$0x3FDB];
	_ =	sdelay $0x1  }
0x99: {  	s4 =	simm.s32 $_scs_section_size  }
0x9a: {  	s5 =	simm.s32 $_size__tile_overlayer_lowered;
	s6 =	simm.s32 $_tile_overlayer_lowered  }
0x9b: {  	s22 =	simm.s32 $0x1BFF;
	s21 =	sshll.u32 s6, $0x1;
	s3 =	sadd.s32 s4, s19  }
0x9c: {  	s7 =	simm.s32 $0x0;
	s20 =	sshll.u32 s5, $0x1;
	s5 =	sadd.s32 s21, s3  }
0x9d: {  	[timem:s7], [sflag:s22] =	dma.local [hbm:s5], s20  }
0x9e: {  	_ =	swait.ge [sflag:s22], s20  }
0x9f: {  	s4 =	ssub.s32 $0x0, s20;
	[sflag:s22] =	ssyncset.done $0x0  }
0xa0: {  	[sflag:s22] =	ssyncadd.s32 s4;
	_ =	sdelay $0x1  }
0xa1: {  	s23 =	simm.s32 $0x1B8B  }
0xa2: {  	_ =	swait.ge [sflag:s23], $0x1  }
0xa3: {  	[sflag:s23] =	ssyncset.done $0x0  }
0xa4: {  	s25 =	simm.s32 $0x1B8E;
	s24 =	sld [smem:$0x3FFE];
	[sflag:s23] =	ssyncadd.s32 $0xFFFFFFFF  }
0xa5: {  	s26 =	simm.s32 $execute0_lowered;
	[smem:$0x3FD2] =	sst s25  }
0xa6: {  	s5 =	sshll.u32 s26, $0x1;
	_ =	strace $0x80000046;
	[dreg:$0x1] =	wrdreg $0xFFFFFFFF  }
0xa7: {  	s28 =	simm.s32 $_size_execute0_lowered;
	s3 =	sadd.s32 s3, s5;
	[dreg:$0x0] =	wrdreg $0x0  }
0xa8: {  	s5 =	sshll.u32 s28, $0x1;
	[dreg:$0x2] =	wrdreg s3  }
0xa9: {  	[dreg:$0x3] =	wrdreg s5  }
0xaa: {  	[dreg:$0x4] =	wrdreg $0xC0  }
0xab: {  	_ =	task [dreg:s7], $0x5FFFF  }
0xac: {  	[dreg:$0x1] =	wrdreg $0xFFFFFFFF  }
0xad: {  	[dreg:$0x0] =	wrdreg $0x60  }
0xae: {  	[dreg:$0x2] =	wrdreg s2  }
0xaf: {  	[dreg:$0x3] =	wrdreg s24  }
0xb0: {  	[dreg:$0x4] =	wrdreg $0xA  }
0xb1: {  	_ =	task.clear_ibuf [dreg:s7], $0x5FFFF;
	_ =	strace $0x90000046  }
0xb2: {  	s29 =	simm.s32 $0xA;
	_ =	strace $0x80000048  }
0xb3: {  	_ =	swait.ge [sflag:s29], $0x1  }
0xb4: {  	[sflag:s29] =	ssyncadd.s32 $0xFFFFFFFF  }
0xb5: {  	_ =	strace $0x90000048  }
0xb6: {  	_ =	sfence  }
0xb7: {  	s30 =	sld [smem:$0x0];
	_ =	sdelay $0x2  }
0xb8: {  	s31 =	sshll.u32 s1, $0xD;
	s1 =	sshrl.u32 s1, $0x2  }
0xb9: {  	s3 =	sand.u32 $0x4000, s31;
	s1 =	sadd.s32 s1, s30  }
0xba: {  	s0 =	sor.u32 s3, s0;
	s1 =	sshll.u32 s1, $0x11  }
0xbb: {  	s0 =	sor.u32 s1, s0  }
0xbc: {  	s0 =	sadd.s32 $0x8F2B, s0  }
0xbd: {  	[sflag:s0] =	ssyncadd.remote.s32 $0x1  }
0xbe: {  	_ =	sfence.sel $0xFFFF  }
0xbf: {  	[dreg:$0x0] =	wrdreg $0xFFFFFFFF;
	(pc) =	sbr.abs _section_cstart, $3  }
0xc0: {  	[dreg:$0x1] =	wrdreg $0xFFFFFFFF  }
0xc1: {  	_ =	task.clear_ibuf [dreg:s7], $0x2FFFF;
	_ =	strace $0x9FFFFFFF  }
0xc2: {  	(tm) =	ssettm $0x7FFFFFFF  }
0xc3: {  	_ =	shalt  }
tec
execute0_lowered:
.L_overlay_start_1:
0x0: {  	(tag) =	ssettag $0x1  }
0x1: {  	v0 =	vimm.s32 $0x3B80;
	vm0 =	vcmask $0x300  }
0x2: {  	vm14 =	vcmask $0x704;
	v0 =	vsel vm0, $0x0, v0  }
0x3: {  	vm15 =	vcmask $0xB08;
	v0 =	vsel vm14, $0x80, v0  }
0x4: {  	vm4 =	vcmask $0xF0C;
	v0 =	vsel vm15, $0x100, v0  }
0x5: {  	vm5 =	vcmask $0x1310;
	v0 =	vsel vm4, $0x180, v0  }
0x6: {  	vm6 =	vcmask $0x1714;
	v0 =	vsel vm5, $0x200, v0  }
0x7: {  	vm7 =	vcmask $0x1B18;
	v0 =	vsel vm6, $0x280, v0  }
0x8: {  	vm8 =	vcmask $0x1F1C;
	v0 =	vsel vm7, $0x300, v0  }
0x9: {  	s0 =	rddreg [dreg:$0x0];
	vm9 =	vcmask $0x2320;
	v0 =	vsel vm8, $0x380, v0  }
0xa: {  	s5 =	rddreg [dreg:$0x1];
	s3 =	srdreg.scid;
	vm10 =	vcmask $0x2724;
	v0 =	vsel vm9, $0x3800, v0  }
0xb: {  	s1 =	rddreg [dreg:$0x2];
	s2 =	simm.s32 $0x0;
	vm11 =	vcmask $0x2B28;
	s4 =	stileid.u32;
	v0 =	vsel vm10, $0x3880, v0  }
.Ltmp0:
0xc: {  	vm12 =	vcmask $0x2F2C;
	s8 =	simm.s32 $0x3800;
	s3 =	sand.u32 $0x1, s3;
	v0 =	vsel vm11, $0x3900, v0;
	(pc) =	sbr.rel .LBB2_1-.Ltmp0, $4  }
0xd: {  	vm13 =	vcmask $0x3330;
	s9 =	simm.s32 $0x2;
	s10 =	simm.s32 $0x7000;
	s6 =	ssub.s32 $0x2, s3;
	v0 =	vsel vm12, $0x3980, v0  }
0xe: {  	s11 =	simm.s32 $0x1;
	s12 =	simm.s32 $0x0;
	vm14 =	vcmask $0x3734;
	s7 =	sshrl.u32 s6, $0x1;
	v0 =	vsel vm13, $0x3A00, v0  }
0xf: {  	[smem:$0x7FF] =	sst s2;
	s5 =	sadd.s32 $0x1200, s5;
	vm15 =	vcmask $0x3B38;
	s7 =	ssub.s32 s6, s7;
	v0 =	vsel vm14, $0x3A80, v0  }
0x10: {  	_ =	strace $0x80000047;
	s6 =	sshll.u32 s4, $0x1;
	s7 =	smax.u32 s7, $0x1;
	v0 =	vsel vm15, $0x3B00, v0  }
.LBB2_7:
0x11: {  	s12 =	sadd.s32 $0x1, s12  }
0x12: {  	p0 =	sne.s32 s12, s7  }
.Ltmp1:
0x13: {  	_ = 	snop;
	(pc) =	sbr.rel @!p0 .LBB2_8-.Ltmp1, $1  }
0x14: {  	_ =	sdelay $0x3  }
.LBB2_1:
.Ltmp2:
0x15: {  	(pc) =	sbr.rel .LBB2_2-.Ltmp2, $2  }
0x16: {  	_ =	sdelay $0x2  }
0x17: {  	s13 =	simm.s32 $0x0  }
.LBB2_6:
0x18: {  	s13 =	sadd.s32 $0x1, s13  }
0x19: {  	p0 =	sne.s32 s13, $0x13  }
.Ltmp3:
0x1a: {  	_ = 	snop;
	(pc) =	sbr.rel @!p0 .LBB2_7-.Ltmp3, $1  }
0x1b: {  	_ =	sdelay $0x3  }
.LBB2_2:
0x1c: {  	s14 =	sshll.u32 s13, $0x5  }
0x1d: {  	s14 =	sor.u32 s14, s6  }
0x1e: {  	s14 =	sor.u32 s3, s14  }
0x1f: {  	p0 =	sgt.u32 s14, $0x258  }
.Ltmp4:
0x20: {  	_ = 	snop;
	(pc) =	sbr.rel @p0 .LBB2_6-.Ltmp4, $1  }
0x21: {  	_ =	sdelay $0x3  }
0x22: {  	s16 =	simm.s32 $0x0  }
0x23: {  	s15 =	smul.u32 $0x680, s14;
	v1 =	vmov s16  }
0x24: {  	v2 =	vshll.u32 v1, $0x3  }
0x25: {  	s15 =	sadd.s32 s0, s15;
	v1 =	vand.u32 $0x78, v1;
	v2 =	vand.u32 $0x3C00, v2  }
0x26: {  	[tilespmem:s2], [sflag:$0x2] =	stream.linear.gather [hbm4b:s15+s2], $0x3400, $0x38;
	v1 =	vor.u32 v1, v2;
	[tilespmem:$0xD800] =	vst v63  }
0x27: {  	s24 =	simm.s32 $0x1;
	s15 =	sadd.s32 $0xF4280, s15;
	v1 =	vadd.s32 v0, v1  }
0x28: {  	[tilespmem:s8], [sflag:$0x2] =	stream.linear.gather [hbm4b:s15+s2], $0x3400, $0x38;
	[tilespmem:$0xD800] =	vst v63  }
0x29: {  	v2 =	vmov s24;
	_ =	swait.ge [sflag:s9], $0x6800  }
0x2a: {  	v3 =	vshll.u32 v2, $0x3;
	[sflag:s9] =	ssyncset.done $0x0  }
0x2b: {  	v2 =	vand.u32 $0x79, v2;
	v3 =	vand.u32 $0x3C00, v3;
	[sflag:s9] =	ssyncadd.s32 $0xFFFF9800  }
0x2c: {  	v2 =	vor.u32 v2, v3;
	v1 =	vld.idx.msk [tilespmem:v1+s2+$0x0], $0xffff  }
0x2d: {  	v2 =	vadd.s32 v0, v2  }
0x2e: {  	s25 =	simm.s32 $0x2  }
0x2f: {  	v3 =	vmov s25  }
0x30: {  	s15 =	simm.s32 $0x7040;
	v4 =	vshll.u32 v3, $0x3  }
0x31: {  	[tilespmem:s15+$0xFFFFFFC0] =	vst v1;
	v1 =	vand.u32 $0x7A, v3;
	v3 =	vand.u32 $0x3C00, v4  }
0x32: {  	v2 =	vld.idx.msk [tilespmem:v2+s2+$0x0], $0xffff;
	v1 =	vor.u32 v1, v3  }
0x33: {  	v1 =	vadd.s32 v0, v1  }
0x34: {  	s26 =	simm.s32 $0x3  }
0x35: {  	v3 =	vmov s26  }
0x36: {  	v59 =	vshll.u32 v3, $0x3  }
0x37: {  	[tilespmem:s15+$0xFFFFFFD0] =	vst v2;
	v2 =	vand.u32 $0x7B, v3;
	v3 =	vand.u32 $0x3C00, v59  }
0x38: {  	v1 =	vld.idx.msk [tilespmem:v1+s2+$0x0], $0xffff;
	v2 =	vor.u32 v2, v3  }
0x39: {  	v2 =	vadd.s32 v0, v2  }
0x3a: {  	s28 =	simm.s32 $0x4  }
0x3b: {  	v3 =	vmov s28  }
0x3c: {  	v60 =	vshll.u32 v3, $0x3  }
0x3d: {  	[tilespmem:s15+$0xFFFFFFE0] =	vst v1;
	v1 =	vand.u32 $0x7C, v3;
	v3 =	vand.u32 $0x3C00, v60  }
0x3e: {  	v2 =	vld.idx.msk [tilespmem:v2+s2+$0x0], $0xffff;
	v1 =	vor.u32 v1, v3  }
0x3f: {  	v1 =	vadd.s32 v0, v1  }
0x40: {  	s29 =	simm.s32 $0x5  }
0x41: {  	v3 =	vmov s29  }
0x42: {  	v61 =	vshll.u32 v3, $0x3  }
0x43: {  	[tilespmem:s15+$0xFFFFFFF0] =	vst v2;
	v2 =	vand.u32 $0x7D, v3;
	v3 =	vand.u32 $0x3C00, v61  }
0x44: {  	v1 =	vld.idx.msk [tilespmem:v1+s2+$0x0], $0xffff;
	v2 =	vor.u32 v2, v3  }
0x45: {  	v2 =	vadd.s32 v0, v2  }
0x46: {  	s30 =	simm.s32 $0x6  }
0x47: {  	v3 =	vmov s30  }
0x48: {  	v62 =	vshll.u32 v3, $0x3  }
0x49: {  	[tilespmem:s15+$0x0] =	vst v1;
	v1 =	vand.u32 $0x7E, v3;
	v3 =	vand.u32 $0x3C00, v62  }
0x4a: {  	v2 =	vld.idx.msk [tilespmem:v2+s2+$0x0], $0xffff;
	v1 =	vor.u32 v1, v3  }
0x4b: {  	v1 =	vadd.s32 v0, v1  }
0x4c: {  	s31 =	simm.s32 $0x7  }
0x4d: {  	v3 =	vmov s31  }
0x4e: {  	v63 =	vshll.u32 v3, $0x3  }
0x4f: {  	v3 =	vand.u32 $0x7F, v3;
	v4 =	vand.u32 $0x3C00, v63;
	[tilespmem:s15+$0x10] =	vst v2  }
0x50: {  	v2 =	vor.u32 v3, v4;
	v1 =	vld.idx.msk [tilespmem:v1+s2+$0x0], $0xffff  }
0x51: {  	v2 =	vadd.s32 v0, v2;
	_ =	sdelay $0x1  }
0x52: {  	s18 =	simm.s32 $0x8;
	s17 =	simm.s32 $0x17;
	s16 =	simm.s32 $0xF  }
.LBB2_4:
0x53: {  	p0 =	sne.s32 s17, $0x67F;
	v3 =	vmov s18  }
0x54: {  	v4 =	vshll.u32 v3, $0x3;
	[tilespmem:s15+$0x20] =	vst v1  }
0x55: {  	v1 =	vand.u32 $0x78, v3;
	v3 =	vand.u32 $0x3C00, v4;
	v2 =	vld.idx.msk [tilespmem:v2+s2+$0x0], $0xffff  }
0x56: {  	v1 =	vor.u32 v1, v3  }
0x57: {  	v1 =	vadd.s32 v0, v1;
	_ =	sdelay $0x1  }
0x58: {  	s18 =	sadd.s32 $0xFFFFFFFA, s16  }
0x59: {  	v3 =	vmov s18  }
0x5a: {  	v4 =	vshll.u32 v3, $0x3;
	[tilespmem:s15+$0x30] =	vst v2  }
0x5b: {  	v2 =	vand.u32 $0x79, v3;
	v3 =	vand.u32 $0x3C00, v4;
	v1 =	vld.idx.msk [tilespmem:v1+s2+$0x0], $0xffff  }
0x5c: {  	v2 =	vor.u32 v2, v3  }
0x5d: {  	v2 =	vadd.s32 v0, v2;
	_ =	sdelay $0x1  }
0x5e: {  	s18 =	sadd.s32 $0xFFFFFFFB, s16  }
0x5f: {  	s15 =	sadd.s32 $0x80, s15;
	v3 =	vmov s18  }
0x60: {  	[tilespmem:s15+$0xFFFFFFC0] =	vst v1;
	v1 =	vshll.u32 v3, $0x3  }
0x61: {  	v3 =	vand.u32 $0x7A, v3;
	v2 =	vld.idx.msk [tilespmem:v2+s2+$0x0], $0xffff;
	v1 =	vand.u32 $0x3C00, v1  }
0x62: {  	v1 =	vor.u32 v3, v1  }
0x63: {  	v1 =	vadd.s32 v0, v1;
	_ =	sdelay $0x1  }
0x64: {  	s18 =	sadd.s32 $0xFFFFFFFC, s16  }
0x65: {  	v3 =	vmov s18  }
0x66: {  	[tilespmem:s15+$0xFFFFFFD0] =	vst v2;
	v2 =	vshll.u32 v3, $0x3  }
0x67: {  	v3 =	vand.u32 $0x7B, v3;
	v1 =	vld.idx.msk [tilespmem:v1+s2+$0x0], $0xffff;
	v2 =	vand.u32 $0x3C00, v2  }
0x68: {  	v2 =	vor.u32 v3, v2  }
0x69: {  	v2 =	vadd.s32 v0, v2;
	_ =	sdelay $0x1  }
0x6a: {  	s18 =	sadd.s32 $0xFFFFFFFD, s16  }
0x6b: {  	v3 =	vmov s18  }
0x6c: {  	[tilespmem:s15+$0xFFFFFFE0] =	vst v1;
	v1 =	vshll.u32 v3, $0x3  }
0x6d: {  	v3 =	vand.u32 $0x7C, v3;
	v2 =	vld.idx.msk [tilespmem:v2+s2+$0x0], $0xffff;
	v1 =	vand.u32 $0x3C00, v1  }
0x6e: {  	v1 =	vor.u32 v3, v1  }
0x6f: {  	v1 =	vadd.s32 v0, v1;
	_ =	sdelay $0x1  }
0x70: {  	s18 =	sadd.s32 $0xFFFFFFFE, s16  }
0x71: {  	v3 =	vmov s18  }
0x72: {  	[tilespmem:s15+$0xFFFFFFF0] =	vst v2;
	v2 =	vshll.u32 v3, $0x3  }
0x73: {  	v3 =	vand.u32 $0x7D, v3;
	v1 =	vld.idx.msk [tilespmem:v1+s2+$0x0], $0xffff;
	v2 =	vand.u32 $0x3C00, v2  }
0x74: {  	v2 =	vor.u32 v3, v2  }
0x75: {  	v2 =	vadd.s32 v0, v2;
	_ =	sdelay $0x1  }
0x76: {  	s18 =	sadd.s32 $0xFFFFFFFF, s16  }
0x77: {  	v3 =	vmov s18  }
0x78: {  	[tilespmem:s15+$0x0] =	vst v1;
	v1 =	vshll.u32 v3, $0x3  }
0x79: {  	v3 =	vand.u32 $0x7E, v3;
	v2 =	vld.idx.msk [tilespmem:v2+s2+$0x0], $0xffff;
	v1 =	vand.u32 $0x3C00, v1  }
0x7a: {  	v1 =	vor.u32 v3, v1  }
0x7b: {  	v1 =	vadd.s32 v0, v1;
	_ =	sdelay $0x2  }
0x7c: {  	v3 =	vmov s16;
	s16 =	smov.u32 s17  }
0x7d: {  	[tilespmem:s15+$0x10] =	vst v2;
	v2 =	vshll.u32 v3, $0x3  }
.Ltmp5:
0x7e: {  	v3 =	vand.u32 $0x7F, v3;
	v1 =	vld.idx.msk [tilespmem:v1+s2+$0x0], $0xffff;
	v2 =	vand.u32 $0x3C00, v2;
	(pc) =	sbr.rel @p0 .LBB2_4-.Ltmp5, $3  }
0x7f: {  	v2 =	vor.u32 v3, v2  }
0x80: {  	v2 =	vadd.s32 v0, v2;
	_ =	sdelay $0x1  }
0x81: {  	s17 =	sadd.s32 $0x8, s17;
	s18 =	sadd.s32 $0xFFFFFFF9, s16  }
0x82: {  	_ = 	snop  }
0x83: {  	v3 =	vmov s18  }
0x84: {  	v4 =	vshll.u32 v3, $0x3  }
0x85: {  	[tilespmem:s15+$0x20] =	vst v1;
	v1 =	vand.u32 $0x78, v3;
	v3 =	vand.u32 $0x3C00, v4  }
0x86: {  	v2 =	vld.idx.msk [tilespmem:v2+s2+$0x0], $0xffff;
	v1 =	vor.u32 v1, v3  }
0x87: {  	v1 =	vadd.s32 v0, v1  }
0x88: {  	s17 =	sadd.s32 $0xFFFFFFFA, s16  }
0x89: {  	v3 =	vmov s17  }
0x8a: {  	v57 =	vshll.u32 v3, $0x3  }
0x8b: {  	[tilespmem:s15+$0x30] =	vst v2;
	v2 =	vand.u32 $0x79, v3;
	v3 =	vand.u32 $0x3C00, v57  }
0x8c: {  	v2 =	vor.u32 v2, v3;
	v1 =	vld.idx.msk [tilespmem:v1+s2+$0x0], $0xffff  }
0x8d: {  	v2 =	vadd.s32 v0, v2  }
0x8e: {  	s25 =	sadd.s32 $0xFFFFFFFB, s16  }
0x8f: {  	v3 =	vmov s25  }
0x90: {  	s26 =	sadd.s32 $0x80, s15;
	v58 =	vshll.u32 v3, $0x3  }
0x91: {  	[tilespmem:s26+$0xFFFFFFC0] =	vst v1;
	v1 =	vand.u32 $0x7A, v3;
	v3 =	vand.u32 $0x3C00, v58  }
0x92: {  	v2 =	vld.idx.msk [tilespmem:v2+s2+$0x0], $0xffff;
	v1 =	vor.u32 v1, v3  }
0x93: {  	v1 =	vadd.s32 v0, v1  }
0x94: {  	s28 =	sadd.s32 $0xFFFFFFFC, s16  }
0x95: {  	v3 =	vmov s28  }
0x96: {  	v59 =	vshll.u32 v3, $0x3  }
0x97: {  	[tilespmem:s26+$0xFFFFFFD0] =	vst v2;
	v2 =	vand.u32 $0x7B, v3;
	v3 =	vand.u32 $0x3C00, v59  }
0x98: {  	v1 =	vld.idx.msk [tilespmem:v1+s2+$0x0], $0xffff;
	v2 =	vor.u32 v2, v3  }
0x99: {  	v2 =	vadd.s32 v0, v2  }
0x9a: {  	s29 =	sadd.s32 $0xFFFFFFFD, s16  }
0x9b: {  	v3 =	vmov s29  }
0x9c: {  	v60 =	vshll.u32 v3, $0x3  }
0x9d: {  	[tilespmem:s26+$0xFFFFFFE0] =	vst v1;
	v1 =	vand.u32 $0x7C, v3;
	v3 =	vand.u32 $0x3C00, v60  }
0x9e: {  	v2 =	vld.idx.msk [tilespmem:v2+s2+$0x0], $0xffff;
	v1 =	vor.u32 v1, v3  }
0x9f: {  	v1 =	vadd.s32 v0, v1  }
0xa0: {  	s30 =	sadd.s32 $0xFFFFFFFE, s16  }
0xa1: {  	v3 =	vmov s30  }
0xa2: {  	v61 =	vshll.u32 v3, $0x3  }
0xa3: {  	[tilespmem:s26+$0xFFFFFFF0] =	vst v2;
	v2 =	vand.u32 $0x7D, v3;
	v3 =	vand.u32 $0x3C00, v61  }
0xa4: {  	v1 =	vld.idx.msk [tilespmem:v1+s2+$0x0], $0xffff;
	v2 =	vor.u32 v2, v3  }
0xa5: {  	v2 =	vadd.s32 v0, v2  }
0xa6: {  	s31 =	sadd.s32 $0xFFFFFFFF, s16  }
0xa7: {  	v3 =	vmov s31  }
0xa8: {  	v62 =	vshll.u32 v3, $0x3  }
0xa9: {  	[tilespmem:s26+$0x0] =	vst v1;
	v1 =	vand.u32 $0x7E, v3;
	v3 =	vand.u32 $0x3C00, v62  }
0xaa: {  	v2 =	vld.idx.msk [tilespmem:v2+s2+$0x0], $0xffff;
	v1 =	vor.u32 v1, v3  }
0xab: {  	v1 =	vadd.s32 v0, v1;
	_ =	sdelay $0x1  }
0xac: {  	v3 =	vmov s16  }
0xad: {  	v63 =	vshll.u32 v3, $0x3  }
0xae: {  	[tilespmem:s26+$0x10] =	vst v2;
	v2 =	vand.u32 $0x7F, v3;
	v3 =	vand.u32 $0x3C00, v63  }
0xaf: {  	v1 =	vld.idx.msk [tilespmem:v1+s2+$0x0], $0xffff;
	v2 =	vor.u32 v2, v3  }
0xb0: {  	v2 =	vadd.s32 v0, v2;
	_ =	sdelay $0x3  }
0xb1: {  	[tilespmem:s26+$0x20] =	vst v1  }
0xb2: {  	v1 =	vld.idx.msk [tilespmem:v2+s2+$0x0], $0xffff;
	_ =	sdelay $0x2  }
0xb3: {  	s14 =	smul.u32 $0xD00, s14;
	_ =	sdelay $0x1  }
.Ltmp6:
0xb4: {  	s14 =	sadd.s32 s5, s14;
	[tilespmem:s26+$0x30] =	vst v1;
	(pc) =	sbr.rel .LBB2_6-.Ltmp6, $4  }
0xb5: {  	[hbm4b:s14+s2] =	stream.linear.scatter [tilespmem:s10], [sflag:$0x1], $0x6800, $0x38;
	[tilespmem:$0xD800] =	vst v63  }
0xb6: {  	_ =	swait.ge [sflag:s11], $0x6800  }
0xb7: {  	[sflag:s11] =	ssyncset.done $0x0  }
0xb8: {  	[sflag:s11] =	ssyncadd.s32 $0xFFFF9800  }
.LBB2_8:
0xb9: {  	_ =	sfence.sel $0x180000  }
0xba: {  	[bflag:$0x0] =	sbarrier.arrive $0xFFFF  }
0xbb: {  	p0 =	sne.s32 s4, $0x0;
	_ =	strace $0x90000047  }
0xbc: {  	s0 =	sadd.s32 @!p0 $0x100000, s1;
	[bflag:$0x2] =	sbarrier.arrive $0xFFFF  }
0xbd: {  	[sflag:s0] =	ssyncadd.tile.s32 @!p0 $0x1;
	_ =	shalt  }
.Lfunc_end2:
_tile_overlayer_lowered:
.L_overlay_start_2:
0xbe: {  	(tag) =	ssettag $0x2  }
0xbf: {  	s0 =	rddreg [dreg:$0x0];
	s2 =	stileid.u32  }
0xc0: {  	s1 =	rddreg [dreg:$0x1];
	p0 =	sne.s32 s2, $0x0  }
0xc1: {  	s3 =	rddreg [dreg:$0x2];
	[bflag:$0x3] =	sbarrier.arrive $0xFFFF;
	s2 =	simm.s32 @!p0 $0x1C01  }
0xc2: {  	[timem:s3], [sflag:s2] =	dma.local @!p0 [hbm:s0], s1  }
0xc3: {  	s0 =	simm.s32 @!p0 $0x1  }
0xc4: {  	_ =	swait.ge @!p0 [sflag:s0], s1  }
0xc5: {  	s1 =	ssub.s32 @!p0 $0x0, s1;
	[sflag:s0] =	ssyncset.done @!p0 $0x0  }
0xc6: {  	[sflag:s0] =	ssyncadd.s32 @!p0 s1  }
0xc7: {  	[bflag:$0x3] =	sbarrier.arrive $0xFFFF  }
0xc8: {  	_ =	shalt  }

// kernel: kernel.9.cloned.1.call-start
scs
__scs_entry_jumppad:
0x0: {  	(pc) =	sbr.rel $0x88, $3  }
0x1: {  	(tag) =	ssettag $0x0;
	lr =	simm.s32 $0x1  }
0x2: {  	[smem:$0x3F9C] =	sst lr;
	_ =	strace $0xD0000000  }
0x3: {  	_ = 	snop  }
0x4: {  	_ = 	snop  }
0x5: {  	_ = 	snop  }
0x6: {  	_ = 	snop  }
0x7: {  	_ = 	snop  }
__scs_overlays_trampoline_lowered:
0x8: {  	[smem:$0x3FAB] =	sst s0  }
0x9: {  	[smem:$0x3FAC] =	sst s1  }
0xa: {  	[smem:$0x3FAD] =	sst s2  }
0xb: {  	[smem:$0x3FAE] =	sst s3  }
0xc: {  	[smem:$0x3FAF] =	sst s4  }
0xd: {  	[smem:$0x3FB0] =	sst s5  }
0xe: {  	[smem:$0x3FB1] =	sst s6  }
0xf: {  	[smem:$0x3FB2] =	sst s7  }
0x10: {  	[smem:$0x3FB3] =	sst s8  }
0x11: {  	[smem:$0x3FB4] =	sst s9;
	s0 =	simm.s32 @!p0 $0x0  }
0x12: {  	s1 =	sld [smem:$0x3F9A];
	s0 =	simm.s32 @p0 $0x1  }
0x13: {  	[smem:$0x3FB5] =	sst s0;
	s0 =	simm.s32 @!p1 $0x0  }
0x14: {  	s2 =	sld [smem:$0x3F99];
	s0 =	simm.s32 @p1 $0x1  }
0x15: {  	[smem:$0x3FB6] =	sst s0;
	s0 =	simm.s32 @!p2 $0x0  }
0x16: {  	s3 =	sld [smem:$0x3FDB];
	s0 =	simm.s32 @p2 $0x1  }
0x17: {  	s4 =	simm.s32 $0x1BF5;
	[smem:$0x3FB8] =	sst s0  }
0x18: {  	s0 =	sld [smem:$0x3F9B];
	_ =	swait.ge [sflag:s4], $0x0  }
0x19: {  	s7 =	sld [smem:$0x3F9C]  }
0x1a: {  	s8 =	sadd.s32 $0xFFFFE003, lr  }
0x1b: {  	s9 =	sadd.s32 $0xFFFFFEF7, lr;
	s5 =	simm.s32 $0xFFFFFFFF;
	p2 =	slt.u32 s8, $0xFFFFF086  }
0x1c: {  	p1 =	slt.u32 s9, $0xF7A;
	s5 =	simm.s32 @!p2 $0x0  }
0x1d: {  	s5 =	simm.s32 @p1 $0x1;
	p0 =	seq.s32 s7, s2  }
0x1e: {  	s7 =	smul.u32 @!p0 $0xF7A, s2;
	p2 =	seq.s32 @!p0 s5, $0x0  }
0x1f: {  	s9 =	smul.u32 $0xF7A, s1;
	s8 =	simm.s32 @!p0 $0x1BF5;
	p2 =	por !p2, p0  }
0x20: {  	[sflag:s8] =	ssyncset.s32 @!p0 $0xFFFFF086;
	s6 =	sadd.s32 @!p0 s3, s7;
	s7 =	simm.s32 @!p0 $0x108  }
0x21: {  	s3 =	sadd.s32 s3, s9;
	s6 =	sadd.s32 @!p0 $0x88, s6;
	s7 =	simm.s32 @p2 $0x1082  }
0x22: {  	[simem:s7], [sflag:s8] =	dma.local @!p0 [hbm:s6], $0xF7A  }
0x23: {  	s9 =	sor.u32 $0xD0000000, s2;
	s6 =	simm.s32 $0x108;
	_ =	swait.ge @!p0 [sflag:s8], $0x0  }
0x24: {  	s3 =	sadd.s32 $0x88, s3;
	s6 =	simm.s32 @!p1 $0x1082;
	[sflag:s4] =	ssyncset.s32 $0xFFFFF086  }
0x25: {  	[simem:s6], [sflag:s4] =	dma.local [hbm:s3], $0xF7A  }
0x26: {  	[smem:$0x3F9C] =	sst s1;
	(tag) =	ssettag s2;
	_ =	strace s9  }
0x27: {  	s1 =	sld [smem:$0x3FAC]  }
0x28: {  	s2 =	sld [smem:$0x3FAD]  }
0x29: {  	s4 =	sld [smem:$0x3FAF]  }
0x2a: {  	p0 =	seq.s32 s5, $0x0;
	s5 =	sld [smem:$0x3FB0]  }
0x2b: {  	s6 =	sld [smem:$0x3FB1]  }
0x2c: {  	s7 =	sld [smem:$0x3FB2]  }
0x2d: {  	s3 =	simm.s32 $0x108;
	s8 =	sld [smem:$0x3FB3]  }
0x2e: {  	s3 =	simm.s32 @!p0 $0x1082;
	s9 =	sld [smem:$0x3FB4]  }
0x2f: {  	lr =	sadd.s32 s0, s3;
	s0 =	sld [smem:$0x3FAB]  }
0x30: {  	s3 =	sld [smem:$0x3FAE]  }
0x31: {  	[smem:$0x3FB7] =	sst s10  }
0x32: {  	s10 =	sld [smem:$0x3FB5];
	_ =	sdelay $0x3  }
0x33: {  	p0 =	seq.s32 s10, $0x1;
	s10 =	sld [smem:$0x3FB7];
	_ =	sdelay $0x3  }
0x34: {  	[smem:$0x3FB7] =	sst s10  }
0x35: {  	s10 =	sld [smem:$0x3FB6];
	_ =	sdelay $0x3  }
0x36: {  	p1 =	seq.s32 s10, $0x1;
	s10 =	sld [smem:$0x3FB7];
	_ =	sdelay $0x3  }
0x37: {  	[smem:$0x3FB7] =	sst s10  }
0x38: {  	s10 =	sld [smem:$0x3FB8]  }
0x39: {  	_ = 	snop;
	(pc) =	sbr.ind lr, $3  }
0x3a: {  	_ = 	snop  }
0x3b: {  	_ = 	snop  }
0x3c: {  	p2 =	seq.s32 s10, $0x1;
	s10 =	sld [smem:$0x3FB7]  }
0x3d: {  	_ =	shalt  }
0x3e: {  	_ =	shalt  }
0x3f: {  	_ =	shalt  }
0x40: {  	_ =	shalt  }
0x41: {  	_ =	shalt  }
0x42: {  	_ =	shalt  }
0x43: {  	_ =	shalt  }
0x44: {  	_ =	shalt  }
0x45: {  	_ =	shalt  }
0x46: {  	_ =	shalt  }
0x47: {  	_ =	shalt  }
0x48: {  	_ =	shalt  }
0x49: {  	_ =	shalt  }
0x4a: {  	_ =	shalt  }
0x4b: {  	_ =	shalt  }
0x4c: {  	_ =	shalt  }
0x4d: {  	_ =	shalt  }
0x4e: {  	_ =	shalt  }
0x4f: {  	_ =	shalt  }
0x50: {  	_ =	shalt  }
0x51: {  	_ =	shalt  }
0x52: {  	_ =	shalt  }
0x53: {  	_ =	shalt  }
0x54: {  	_ =	shalt  }
0x55: {  	_ =	shalt  }
0x56: {  	_ =	shalt  }
0x57: {  	_ =	shalt  }
0x58: {  	_ =	shalt  }
0x59: {  	_ =	shalt  }
0x5a: {  	_ =	shalt  }
0x5b: {  	_ =	shalt  }
0x5c: {  	_ =	shalt  }
0x5d: {  	_ =	shalt  }
0x5e: {  	_ =	shalt  }
0x5f: {  	_ =	shalt  }
0x60: {  	_ =	shalt  }
0x61: {  	_ =	shalt  }
0x62: {  	_ =	shalt  }
0x63: {  	_ =	shalt  }
0x64: {  	_ =	shalt  }
0x65: {  	_ =	shalt  }
0x66: {  	_ =	shalt  }
0x67: {  	_ =	shalt  }
0x68: {  	_ =	shalt  }
0x69: {  	_ =	shalt  }
0x6a: {  	_ =	shalt  }
0x6b: {  	_ =	shalt  }
0x6c: {  	_ =	shalt  }
0x6d: {  	_ =	shalt  }
0x6e: {  	_ =	shalt  }
0x6f: {  	_ =	shalt  }
0x70: {  	_ =	shalt  }
0x71: {  	_ =	shalt  }
0x72: {  	_ =	shalt  }
0x73: {  	_ =	shalt  }
0x74: {  	_ =	shalt  }
0x75: {  	_ =	shalt  }
0x76: {  	_ =	shalt  }
0x77: {  	_ =	shalt  }
0x78: {  	_ =	shalt  }
0x79: {  	_ =	shalt  }
0x7a: {  	_ =	shalt  }
0x7b: {  	_ =	shalt  }
0x7c: {  	_ =	shalt  }
0x7d: {  	_ =	shalt  }
0x7e: {  	_ =	shalt  }
0x7f: {  	_ =	shalt  }
0x80: {  	_ =	shalt  }
0x81: {  	_ =	shalt  }
0x82: {  	_ =	shalt  }
0x83: {  	_ =	shalt  }
0x84: {  	_ =	shalt  }
0x85: {  	_ =	shalt  }
0x86: {  	_ =	shalt  }
0x87: {  	_ =	shalt  }
.Lfunc_end0:
.L_simem_size_0:
called_computation.1_lowered:
.L_overlay_start_0:
0x88: {  	s2 =	sld [smem:$0x3FD9]  }
0x89: {  	s3 =	sld [smem:$0x3FFE];
	_ =	sdelay $0x1  }
0x8a: {  	s1 =	srdreg.scid  }
0x8b: {  	s0 =	sand.u32 $0x1, s1  }
0x8c: {  	s17 =	sshll.u32 s0, $0xA;
	s2 =	sadd.s32 s3, s2  }
0x8d: {  	s2 =	sadd.s32 s2, s17  }
0x8e: {  	[smem:$0x3FC3] =	sst s2  }
0x8f: {  	_ = 	snop  }
0x90: {  	(tm) =	ssettm $0x1  }
0x91: {  	s18 =	sld [smem:$0x3FFB];
	_ =	sdelay $0x3  }
0x92: {  	_ =	strace s18  }
0x93: {  	s2 =	sld [smem:$0x3FFC];
	_ =	sdelay $0x3  }
0x94: {  	_ =	strace s2  }
0x95: {  	s2 =	sld [smem:$0x3FFD];
	_ =	sdelay $0x3  }
0x96: {  	_ =	strace s2  }
0x97: {  	_ =	strace $0x8FFFFFFF  }
0x98: {  	s19 =	sld [smem:$0x3FDB];
	_ =	sdelay $0x1  }
0x99: {  	s20 =	simm.s32 $_scs_section_size  }
0x9a: {  	s4 =	simm.s32 $_size__tile_overlayer_lowered;
	s5 =	simm.s32 $_tile_overlayer_lowered  }
0x9b: {  	s6 =	simm.s32 $0x1BFF;
	s21 =	sshll.u32 s5, $0x1;
	s3 =	sadd.s32 s20, s19  }
0x9c: {  	s22 =	simm.s32 $0x0;
	s4 =	sshll.u32 s4, $0x1;
	s5 =	sadd.s32 s21, s3  }
0x9d: {  	[timem:s22], [sflag:s6] =	dma.local [hbm:s5], s4  }
0x9e: {  	_ =	swait.ge [sflag:s6], s4  }
0x9f: {  	s4 =	ssub.s32 $0x0, s4;
	[sflag:s6] =	ssyncset.done $0x0  }
0xa0: {  	[sflag:s6] =	ssyncadd.s32 s4;
	_ =	sdelay $0x1  }
0xa1: {  	s23 =	simm.s32 $0x1B8B  }
0xa2: {  	_ =	swait.ge [sflag:s23], $0x1  }
0xa3: {  	[sflag:s23] =	ssyncset.done $0x0  }
0xa4: {  	[sflag:s23] =	ssyncadd.s32 $0xFFFFFFFF  }
0xa5: {  	s4 =	sld [smem:$0x0]  }
0xa6: {  	s5 =	sand.u32 $0xFFFFFFFE, s1  }
0xa7: {  	p0 =	sne.s32 s1, s5  }
0xa8: {  	s5 =	sshll.u32 @p0 s5, $0xE  }
0xa9: {  	s5 =	sadd.s32 @p0 $0x11B8D, s5;
	s6 =	sshll.u32 @p0 s4, $0x11  }
0xaa: {  	s5 =	sor.u32 @p0 s6, s5  }
0xab: {  	[sflag:s5] =	ssyncadd.remote.s32 @p0 $0x1;
	_ =	sdelay $0x1  }
0xac: {  	s5 =	simm.s32 @p0 $0x1B8D  }
0xad: {  	_ =	swait.eq @p0 [sflag:s5], $0x1  }
0xae: {  	[sflag:s5] =	ssyncadd.s32 @p0 $0xFFFFFFFF  }
0xaf: {  	s6 =	sshll.u32 @!p0 s1, $0xE  }
0xb0: {  	s6 =	sor.u32 @!p0 $0x4000, s6;
	s5 =	simm.s32 @!p0 $0x1B8D  }
0xb1: {  	s4 =	sshll.u32 @!p0 s4, $0x11;
	s6 =	sadd.s32 @!p0 $0x11B8D, s6;
	_ =	swait.eq @!p0 [sflag:s5], $0x1  }
0xb2: {  	s4 =	sor.u32 @!p0 s4, s6;
	[sflag:s5] =	ssyncadd.s32 @!p0 $0xFFFFFFFF  }
0xb3: {  	s25 =	simm.s32 $0x1B8E;
	s24 =	sld [smem:$0x3FFE];
	[sflag:s4] =	ssyncadd.remote.s32 @!p0 $0x1  }
0xb4: {  	s26 =	simm.s32 $execute0_lowered;
	[smem:$0x3FD2] =	sst s25  }
0xb5: {  	s5 =	sshll.u32 s26, $0x1;
	_ =	strace $0x80000049;
	[dreg:$0x1] =	wrdreg $0xFFFFFFFF  }
0xb6: {  	s28 =	simm.s32 $_size_execute0_lowered;
	s3 =	sadd.s32 s3, s5;
	[dreg:$0x0] =	wrdreg $0x0  }
0xb7: {  	s5 =	sshll.u32 s28, $0x1;
	[dreg:$0x2] =	wrdreg s3  }
0xb8: {  	[dreg:$0x3] =	wrdreg s5  }
0xb9: {  	[dreg:$0x4] =	wrdreg $0xC0  }
0xba: {  	_ =	task [dreg:s22], $0x5FFFF  }
0xbb: {  	[dreg:$0x1] =	wrdreg $0xFFFFFFFF  }
0xbc: {  	[dreg:$0x0] =	wrdreg $0x60  }
0xbd: {  	[dreg:$0x2] =	wrdreg s24  }
0xbe: {  	[dreg:$0x3] =	wrdreg $0x9  }
0xbf: {  	_ =	task.clear_ibuf [dreg:s22], $0x4FFFF;
	_ =	strace $0x90000049  }
0xc0: {  	s29 =	simm.s32 $0x9;
	_ =	strace $0x8000004B  }
0xc1: {  	_ =	swait.ge [sflag:s29], $0x1  }
0xc2: {  	[sflag:s29] =	ssyncadd.s32 $0xFFFFFFFF  }
0xc3: {  	_ =	strace $0x9000004B  }
0xc4: {  	_ =	sfence  }
0xc5: {  	s30 =	sld [smem:$0x0];
	_ =	sdelay $0x2  }
0xc6: {  	s31 =	sshll.u32 s1, $0xD;
	s1 =	sshrl.u32 s1, $0x2  }
0xc7: {  	s4 =	sand.u32 $0x4000, s31;
	s1 =	sadd.s32 s1, s30  }
0xc8: {  	s0 =	sor.u32 s4, s0;
	s1 =	sshll.u32 s1, $0x11  }
0xc9: {  	s0 =	sor.u32 s1, s0  }
0xca: {  	s0 =	sadd.s32 $0x8F2B, s0  }
0xcb: {  	[sflag:s0] =	ssyncadd.remote.s32 $0x1  }
0xcc: {  	_ =	sfence.sel $0xFFFF  }
0xcd: {  	[dreg:$0x0] =	wrdreg $0xFFFFFFFF;
	(pc) =	sbr.abs _section_cstart, $3  }
0xce: {  	[dreg:$0x1] =	wrdreg $0xFFFFFFFF  }
0xcf: {  	_ =	task.clear_ibuf [dreg:s22], $0x2FFFF;
	_ =	strace $0x9FFFFFFF  }
0xd0: {  	(tm) =	ssettm $0x7FFFFFFF  }
0xd1: {  	_ =	shalt  }
tec
execute0_lowered:
.L_overlay_start_1:
0x0: {  	(tag) =	ssettag $0x1  }
0x1: {  	s4 =	rddreg [dreg:$0x0]  }
0x2: {  	s0 =	rddreg [dreg:$0x1]  }
0x3: {  	s3 =	srdreg.scid;
	s1 =	stileid.u32  }
0x4: {  	s2 =	simm.s32 $0x0;
	s9 =	simm.s32 $0x2800;
	s10 =	simm.s32 $0x4800  }
0x5: {  	s11 =	simm.s32 $0x6800;
	s12 =	simm.s32 $0x8800;
	s13 =	simm.s32 $0xA800  }
0x6: {  	s14 =	simm.s32 $0xC800;
	s15 =	simm.s32 $0xE800;
	s16 =	simm.s32 $0x10800  }
0x7: {  	s17 =	simm.s32 $0x1;
	s18 =	simm.s32 $0x40;
	s5 =	sand.u32 $0x1, s3  }
0x8: {  	s29 =	sshll.u32 s1, $0x1;
	[smem:$0x7FF] =	sst s2;
	s7 =	smul.u32 $0x50000, s1  }
0x9: {  	s3 =	sor.u32 s5, s29;
	s8 =	ssub.s32 $0x2, s5;
	s5 =	smul.u32 $0x28000, s5  }
0xa: {  	s19 =	simm.s32 $0x0;
	_ =	strace $0x8000004A;
	s6 =	smul.u32 $0x2800, s3  }
0xb: {  	s3 =	sadd.s32 $0x1135C00, s4;
	s7 =	sadd.s32 s7, s4;
	s30 =	sshrl.u32 s8, $0x1  }
0xc: {  	s8 =	ssub.s32 s8, s30;
	s31 =	sadd.s32 s5, s7;
	s6 =	sshrl.u32 s6, $0x3  }
0xd: {  	s7 =	simm.s32 $0x2;
	s5 =	smax.u32 s8, $0x1;
	s6 =	sadd.s32 s6, s4  }
0xe: {  	s8 =	simm.s32 $0x80;
	s4 =	sadd.s32 $0x1E9800, s6;
	s6 =	sadd.s32 $0x1F3800, s31  }
.LBB2_1:
0xf: {  	[tilespmem:s2], [sflag:$0x2] =	stream.linear.gather [hbm4b:s4+s2], $0x2800, $0x38;
	[tilespmem:$0x12800] =	vst v63  }
0x10: {  	_ =	swait.ge [sflag:s7], $0x2800  }
0x11: {  	[sflag:s7] =	ssyncset.done $0x0  }
0x12: {  	s20 =	simm.s32 $0x0;
	[sflag:s7] =	ssyncadd.s32 $0xFFFFD800  }
0x13: {  	[tilespmem:s9], [sflag:$0x1] =	stream.indirect.gather [hbm4b:s3+s8], $0x40, s20, s8, $0xb8;
	[tilespmem:$0x12800] =	vst v63  }
0x14: {  	s24 =	simm.s32 $0x80  }
0x15: {  	[tilespmem:s10], [sflag:$0x1] =	stream.indirect.gather [hbm4b:s3+s8], $0x40, s24, s8, $0xb8;
	[tilespmem:$0x12800] =	vst v63  }
0x16: {  	s25 =	simm.s32 $0x100  }
0x17: {  	[tilespmem:s11], [sflag:$0x1] =	stream.indirect.gather [hbm4b:s3+s8], $0x40, s25, s8, $0xb8;
	[tilespmem:$0x12800] =	vst v63  }
0x18: {  	s26 =	simm.s32 $0x180  }
0x19: {  	[tilespmem:s12], [sflag:$0x1] =	stream.indirect.gather [hbm4b:s3+s8], $0x40, s26, s8, $0xb8;
	[tilespmem:$0x12800] =	vst v63  }
0x1a: {  	s28 =	simm.s32 $0x200  }
0x1b: {  	[tilespmem:s13], [sflag:$0x1] =	stream.indirect.gather [hbm4b:s3+s8], $0x40, s28, s8, $0xb8;
	[tilespmem:$0x12800] =	vst v63  }
0x1c: {  	s29 =	simm.s32 $0x280  }
0x1d: {  	[tilespmem:s14], [sflag:$0x1] =	stream.indirect.gather [hbm4b:s3+s8], $0x40, s29, s8, $0xb8;
	[tilespmem:$0x12800] =	vst v63  }
0x1e: {  	s30 =	simm.s32 $0x300  }
0x1f: {  	[tilespmem:s15], [sflag:$0x1] =	stream.indirect.gather [hbm4b:s3+s8], $0x40, s30, s8, $0xb8;
	[tilespmem:$0x12800] =	vst v63  }
0x20: {  	s31 =	simm.s32 $0x380  }
0x21: {  	[tilespmem:s16], [sflag:$0x1] =	stream.indirect.gather [hbm4b:s3+s8], $0x40, s31, s8, $0xb8;
	[tilespmem:$0x12800] =	vst v63  }
0x22: {  	_ =	swait.ge [sflag:s17], $0x2000  }
0x23: {  	[sflag:s17] =	ssyncset.done $0x0  }
0x24: {  	[sflag:s17] =	ssyncadd.s32 $0xFFFFE000  }
0x25: {  	_ =	swait.ge [sflag:s17], $0x2000  }
0x26: {  	[sflag:s17] =	ssyncset.done $0x0  }
0x27: {  	[sflag:s17] =	ssyncadd.s32 $0xFFFFE000  }
0x28: {  	_ =	swait.ge [sflag:s17], $0x2000  }
0x29: {  	[sflag:s17] =	ssyncset.done $0x0  }
0x2a: {  	[sflag:s17] =	ssyncadd.s32 $0xFFFFE000  }
0x2b: {  	_ =	swait.ge [sflag:s17], $0x2000  }
0x2c: {  	[sflag:s17] =	ssyncset.done $0x0  }
0x2d: {  	[sflag:s17] =	ssyncadd.s32 $0xFFFFE000  }
0x2e: {  	_ =	swait.ge [sflag:s17], $0x2000  }
0x2f: {  	[sflag:s17] =	ssyncset.done $0x0  }
0x30: {  	[sflag:s17] =	ssyncadd.s32 $0xFFFFE000  }
0x31: {  	_ =	swait.ge [sflag:s17], $0x2000  }
0x32: {  	[sflag:s17] =	ssyncset.done $0x0  }
0x33: {  	[sflag:s17] =	ssyncadd.s32 $0xFFFFE000  }
0x34: {  	_ =	swait.ge [sflag:s17], $0x2000  }
0x35: {  	[sflag:s17] =	ssyncset.done $0x0  }
0x36: {  	[sflag:s17] =	ssyncadd.s32 $0xFFFFE000  }
0x37: {  	_ =	swait.ge [sflag:s17], $0x2000  }
0x38: {  	[sflag:s17] =	ssyncset.done $0x0  }
0x39: {  	[sflag:s17] =	ssyncadd.s32 $0xFFFFE000  }
0x3a: {  	[hbm4b:s6+s18] =	stream.strided.scatter [tilespmem:s9], [sflag:$0x2], $0x10000, s8, s18, $0x38;
	[tilespmem:$0x12800] =	vst v63  }
0x3b: {  	s21 =	simm.s32 $0x1000;
	_ =	swait.ge [sflag:s7], $0x10000  }
0x3c: {  	s23 =	simm.s32 $0x2000;
	s20 =	sadd.s32 $0x4000, s6;
	[sflag:s7] =	ssyncset.done $0x0  }
.LBB2_2:
0x3d: {  	s24 =	sshra.s32 s21, $0x2  }
0x3e: {  	[sflag:s7] =	ssyncadd.s32 $0xFFFF0000;
	s21 =	smov.u32 s23;
	s22 =	sadd.s32 $0x1000, s23  }
0x3f: {  	[tilespmem:s9], [sflag:$0x1] =	stream.indirect.gather [hbm4b:s3+s8], $0x40, s24, s8, $0xb8;
	[tilespmem:$0x12800] =	vst v63  }
0x40: {  	p0 =	sne.s32 s23, $0x9000;
	s23 =	sadd.s32 $0x80, s24  }
0x41: {  	[tilespmem:s10], [sflag:$0x1] =	stream.indirect.gather [hbm4b:s3+s8], $0x40, s23, s8, $0xb8;
	[tilespmem:$0x12800] =	vst v63  }
0x42: {  	s23 =	sadd.s32 $0x100, s24  }
0x43: {  	[tilespmem:s11], [sflag:$0x1] =	stream.indirect.gather [hbm4b:s3+s8], $0x40, s23, s8, $0xb8;
	[tilespmem:$0x12800] =	vst v63  }
0x44: {  	s23 =	sadd.s32 $0x180, s24  }
0x45: {  	[tilespmem:s12], [sflag:$0x1] =	stream.indirect.gather [hbm4b:s3+s8], $0x40, s23, s8, $0xb8;
	[tilespmem:$0x12800] =	vst v63  }
0x46: {  	s23 =	sadd.s32 $0x200, s24  }
0x47: {  	[tilespmem:s13], [sflag:$0x1] =	stream.indirect.gather [hbm4b:s3+s8], $0x40, s23, s8, $0xb8;
	[tilespmem:$0x12800] =	vst v63  }
0x48: {  	s23 =	sadd.s32 $0x280, s24  }
0x49: {  	[tilespmem:s14], [sflag:$0x1] =	stream.indirect.gather [hbm4b:s3+s8], $0x40, s23, s8, $0xb8;
	[tilespmem:$0x12800] =	vst v63  }
0x4a: {  	s23 =	sadd.s32 $0x300, s24  }
0x4b: {  	[tilespmem:s15], [sflag:$0x1] =	stream.indirect.gather [hbm4b:s3+s8], $0x40, s23, s8, $0xb8;
	[tilespmem:$0x12800] =	vst v63  }
0x4c: {  	s23 =	sadd.s32 $0x380, s24  }
0x4d: {  	[tilespmem:s16], [sflag:$0x1] =	stream.indirect.gather [hbm4b:s3+s8], $0x40, s23, s8, $0xb8;
	[tilespmem:$0x12800] =	vst v63  }
0x4e: {  	_ =	swait.ge [sflag:s17], $0x2000  }
0x4f: {  	[sflag:s17] =	ssyncset.done $0x0  }
0x50: {  	[sflag:s17] =	ssyncadd.s32 $0xFFFFE000  }
0x51: {  	_ =	swait.ge [sflag:s17], $0x2000  }
0x52: {  	[sflag:s17] =	ssyncset.done $0x0  }
0x53: {  	[sflag:s17] =	ssyncadd.s32 $0xFFFFE000  }
0x54: {  	_ =	swait.ge [sflag:s17], $0x2000  }
0x55: {  	[sflag:s17] =	ssyncset.done $0x0  }
0x56: {  	[sflag:s17] =	ssyncadd.s32 $0xFFFFE000  }
0x57: {  	_ =	swait.ge [sflag:s17], $0x2000  }
0x58: {  	[sflag:s17] =	ssyncset.done $0x0  }
0x59: {  	[sflag:s17] =	ssyncadd.s32 $0xFFFFE000  }
0x5a: {  	_ =	swait.ge [sflag:s17], $0x2000  }
0x5b: {  	[sflag:s17] =	ssyncset.done $0x0  }
0x5c: {  	[sflag:s17] =	ssyncadd.s32 $0xFFFFE000  }
0x5d: {  	_ =	swait.ge [sflag:s17], $0x2000  }
0x5e: {  	[sflag:s17] =	ssyncset.done $0x0  }
0x5f: {  	[sflag:s17] =	ssyncadd.s32 $0xFFFFE000  }
0x60: {  	_ =	swait.ge [sflag:s17], $0x2000  }
0x61: {  	[sflag:s17] =	ssyncset.done $0x0  }
0x62: {  	[sflag:s17] =	ssyncadd.s32 $0xFFFFE000  }
0x63: {  	_ =	swait.ge [sflag:s17], $0x2000  }
.Ltmp0:
0x64: {  	[sflag:s17] =	ssyncset.done $0x0;
	(pc) =	sbr.rel @p0 .LBB2_2-.Ltmp0, $4  }
0x65: {  	[sflag:s17] =	ssyncadd.s32 $0xFFFFE000  }
0x66: {  	[hbm4b:s20+s18] =	stream.strided.scatter [tilespmem:s9], [sflag:$0x2], $0x10000, s8, s18, $0x38;
	[tilespmem:$0x12800] =	vst v63  }
0x67: {  	_ =	swait.ge [sflag:s7], $0x10000  }
0x68: {  	s23 =	smov.u32 s22;
	s20 =	sadd.s32 $0x4000, s20;
	[sflag:s7] =	ssyncset.done $0x0  }
0x69: {  	s21 =	sshra.s32 s21, $0x2;
	[sflag:s7] =	ssyncadd.s32 $0xFFFF0000  }
0x6a: {  	[tilespmem:s9], [sflag:$0x1] =	stream.indirect.gather [hbm4b:s3+s8], $0x40, s21, s8, $0xb8;
	[tilespmem:$0x12800] =	vst v63  }
0x6b: {  	s22 =	sadd.s32 $0x80, s21  }
0x6c: {  	[tilespmem:s10], [sflag:$0x1] =	stream.indirect.gather [hbm4b:s3+s8], $0x40, s22, s8, $0xb8;
	[tilespmem:$0x12800] =	vst v63  }
0x6d: {  	s26 =	sadd.s32 $0x100, s21  }
0x6e: {  	[tilespmem:s11], [sflag:$0x1] =	stream.indirect.gather [hbm4b:s3+s8], $0x40, s26, s8, $0xb8;
	[tilespmem:$0x12800] =	vst v63  }
0x6f: {  	s28 =	sadd.s32 $0x180, s21  }
0x70: {  	[tilespmem:s12], [sflag:$0x1] =	stream.indirect.gather [hbm4b:s3+s8], $0x40, s28, s8, $0xb8;
	[tilespmem:$0x12800] =	vst v63  }
0x71: {  	s29 =	sadd.s32 $0x200, s21  }
0x72: {  	[tilespmem:s13], [sflag:$0x1] =	stream.indirect.gather [hbm4b:s3+s8], $0x40, s29, s8, $0xb8;
	[tilespmem:$0x12800] =	vst v63  }
0x73: {  	s30 =	sadd.s32 $0x280, s21  }
0x74: {  	[tilespmem:s14], [sflag:$0x1] =	stream.indirect.gather [hbm4b:s3+s8], $0x40, s30, s8, $0xb8;
	[tilespmem:$0x12800] =	vst v63  }
0x75: {  	s31 =	sadd.s32 $0x300, s21  }
0x76: {  	[tilespmem:s15], [sflag:$0x1] =	stream.indirect.gather [hbm4b:s3+s8], $0x40, s31, s8, $0xb8;
	[tilespmem:$0x12800] =	vst v63  }
0x77: {  	s21 =	sadd.s32 $0x380, s21  }
0x78: {  	[tilespmem:s16], [sflag:$0x1] =	stream.indirect.gather [hbm4b:s3+s8], $0x40, s21, s8, $0xb8;
	[tilespmem:$0x12800] =	vst v63  }
0x79: {  	_ =	swait.ge [sflag:s17], $0x2000  }
0x7a: {  	[sflag:s17] =	ssyncset.done $0x0  }
0x7b: {  	[sflag:s17] =	ssyncadd.s32 $0xFFFFE000  }
0x7c: {  	_ =	swait.ge [sflag:s17], $0x2000  }
0x7d: {  	[sflag:s17] =	ssyncset.done $0x0  }
0x7e: {  	[sflag:s17] =	ssyncadd.s32 $0xFFFFE000  }
0x7f: {  	_ =	swait.ge [sflag:s17], $0x2000  }
0x80: {  	[sflag:s17] =	ssyncset.done $0x0  }
0x81: {  	[sflag:s17] =	ssyncadd.s32 $0xFFFFE000  }
0x82: {  	_ =	swait.ge [sflag:s17], $0x2000  }
0x83: {  	[sflag:s17] =	ssyncset.done $0x0  }
0x84: {  	[sflag:s17] =	ssyncadd.s32 $0xFFFFE000  }
0x85: {  	_ =	swait.ge [sflag:s17], $0x2000  }
0x86: {  	[sflag:s17] =	ssyncset.done $0x0  }
0x87: {  	[sflag:s17] =	ssyncadd.s32 $0xFFFFE000  }
0x88: {  	_ =	swait.ge [sflag:s17], $0x2000  }
0x89: {  	[sflag:s17] =	ssyncset.done $0x0  }
0x8a: {  	[sflag:s17] =	ssyncadd.s32 $0xFFFFE000  }
0x8b: {  	_ =	swait.ge [sflag:s17], $0x2000  }
0x8c: {  	[sflag:s17] =	ssyncset.done $0x0  }
0x8d: {  	[sflag:s17] =	ssyncadd.s32 $0xFFFFE000  }
0x8e: {  	s19 =	sadd.s32 $0x1, s19;
	_ =	swait.ge [sflag:s17], $0x2000  }
0x8f: {  	p0 =	sne.s32 s19, s5;
	[sflag:s17] =	ssyncset.done $0x0  }
.Ltmp1:
0x90: {  	[sflag:s17] =	ssyncadd.s32 $0xFFFFE000;
	(pc) =	sbr.rel @p0 .LBB2_1-.Ltmp1, $4  }
0x91: {  	[hbm4b:s20+s18] =	stream.strided.scatter [tilespmem:s9], [sflag:$0x2], $0x10000, s8, s18, $0x38;
	[tilespmem:$0x12800] =	vst v63  }
0x92: {  	_ =	swait.ge [sflag:s7], $0x10000  }
0x93: {  	[sflag:s7] =	ssyncset.done $0x0  }
0x94: {  	[sflag:s7] =	ssyncadd.s32 $0xFFFF0000  }
0x95: {  	_ =	sfence.sel $0x180000  }
0x96: {  	[bflag:$0x0] =	sbarrier.arrive $0xFFFF  }
0x97: {  	p0 =	sne.s32 s1, $0x0;
	_ =	strace $0x9000004A  }
0x98: {  	s0 =	sadd.s32 @!p0 $0x100000, s0;
	[bflag:$0x2] =	sbarrier.arrive $0xFFFF  }
0x99: {  	[sflag:s0] =	ssyncadd.tile.s32 @!p0 $0x1;
	_ =	shalt  }
.Lfunc_end2:
_tile_overlayer_lowered:
.L_overlay_start_2:
0x9a: {  	(tag) =	ssettag $0x2  }
0x9b: {  	s0 =	rddreg [dreg:$0x0];
	s2 =	stileid.u32  }
0x9c: {  	s1 =	rddreg [dreg:$0x1];
	p0 =	sne.s32 s2, $0x0  }
0x9d: {  	s3 =	rddreg [dreg:$0x2];
	[bflag:$0x3] =	sbarrier.arrive $0xFFFF;
	s2 =	simm.s32 @!p0 $0x1C02  }
0x9e: {  	[timem:s3], [sflag:s2] =	dma.local @!p0 [hbm:s0], s1  }
0x9f: {  	s0 =	simm.s32 @!p0 $0x2  }
0xa0: {  	_ =	swait.ge @!p0 [sflag:s0], s1  }
0xa1: {  	s1 =	ssub.s32 @!p0 $0x0, s1;
	[sflag:s0] =	ssyncset.done @!p0 $0x0  }
0xa2: {  	[sflag:s0] =	ssyncadd.s32 @!p0 s1  }
0xa3: {  	[bflag:$0x3] =	sbarrier.arrive $0xFFFF  }
0xa4: {  	_ =	shalt  }

</sc_bundles>
